<compile_context>
chip_gen: v7x
topology: tpu7x:2x2x1
jax: 0.10.2.dev20260603
libtpu: 0.0.44.dev20260713+nightly
codegen_flags: <defaults>
</compile_context>

<pallas_src>
import jax
import jax.numpy as jnp
from jax import lax
from jax.experimental import pallas as pl
from jax.experimental.pallas import tpu as pltpu
from jax.experimental.pallas import tpu_sc as plsc

_THRESH = 0.7
_B, _C, _H, _W = 4, 19, 512, 512
_N = _B * _H * _W
_NMIN = _N // 16
_HB = 256

_NC = 2
_NS = 16
_NW = _NC * _NS
_L = 16
_CHUNK = _N // _NW
_NBINS = 2048
_NLB = 1


def _ce_body(p_ref, t_ref, ce_ref, acc_ref):
    x = p_ref[...]
    t = t_ref[...]
    s = jnp.sum(jnp.exp(x), axis=0)
    cidx = jax.lax.broadcasted_iota(jnp.int32, x.shape, 0)
    tgt = jnp.sum(jnp.where(cidx == t[None, :, :], x, 0.0), axis=0)
    ce = jnp.maximum(jnp.log(s) - tgt, 0.0)
    ce_ref[...] = ce
    p = jnp.exp(-ce)
    focal = ((1.0 - p) ** 2) * ce
    hthr = -jnp.log(jnp.float32(_THRESH))
    hard = ce > hthr

    @pl.when(pl.program_id(0) == 0)
    def _init():
        acc_ref[0, 0] = 0.0
        acc_ref[1, 0] = 0.0
        acc_ref[2, 0] = 0.0

    acc_ref[0, 0] += jnp.sum(focal)
    acc_ref[1, 0] += jnp.sum(jnp.where(hard, ce, 0.0))
    acc_ref[2, 0] += jnp.sum(hard.astype(jnp.float32))


def _ce_pass(preds, targets):
    p2 = preds.reshape(_B * _C, _H, _W)
    t2 = targets.reshape(_B * _H, _W)
    rows_per_b = _H // _HB
    grid = (_B * rows_per_b,)

    def p_map(i):
        return (i // rows_per_b, i % rows_per_b, 0)

    def t_map(i):
        return (i, 0)

    ce, acc = pl.pallas_call(
        _ce_body,
        grid=grid,
        in_specs=[
            pl.BlockSpec((_C, _HB, _W), p_map),
            pl.BlockSpec((_HB, _W), t_map),
        ],
        out_specs=[
            pl.BlockSpec((_HB, _W), t_map),
            pl.BlockSpec((3, 1), lambda i: (0, 0), memory_space=pltpu.SMEM),
        ],
        out_shape=[
            jax.ShapeDtypeStruct((_B * _H, _W), jnp.float32),
            jax.ShapeDtypeStruct((3, 1), jnp.float32),
        ],
    )(p2, t2)
    return ce, acc


def _hist_level(level):
    mesh = plsc.VectorSubcoreMesh(core_axis_name="c", subcore_axis_name="s")
    scratch = [
        pltpu.VMEM((_CHUNK,), jnp.float32),
        pltpu.VMEM((_NLB * _NBINS,), jnp.float32),
    ]
    if _NLB > 1:
        scratch.append(pltpu.VMEM((_NBINS,), jnp.float32))
    if level == 2:
        scratch.append(pltpu.VMEM((_L,), jnp.int32))

    def body(ce_hbm, *rest):
        rest = list(rest)
        if level == 2:
            bsel_hbm = rest.pop(0)
        out_hbm, vals_v, hist_v = rest[:3]
        red_v = rest[3] if _NLB > 1 else hist_v
        bsel_v = rest[-1] if level == 2 else None
        wid = lax.axis_index("s") * _NC + lax.axis_index("c")
        pltpu.sync_copy(ce_hbm.at[pl.ds(wid * _CHUNK, _CHUNK)], vals_v)
        if level == 2:
            pltpu.sync_copy(bsel_hbm.at[0, pl.ds(0, _L)], bsel_v)
            bstar = bsel_v[...]

        zeros16 = jnp.zeros((_L,), jnp.float32)
        _ZU = 8

        def zbody(i, carry):
            for u in range(_ZU):
                hist_v[pl.ds((i * _ZU + u) * _L, _L)] = zeros16
            return carry

        lax.fori_loop(0, (_NLB * _NBINS) // (_L * _ZU), zbody, None)

        ones = jnp.ones((_L,), jnp.float32)
        lane_off = (lax.iota(jnp.int32, _L) % _NLB) * _NBINS
        _HU = 16

        def hbody(i, carry):
            for u in range(_HU):
                v = vals_v[pl.ds((i * _HU + u) * _L, _L)]
                bits = lax.bitcast_convert_type(v, jnp.int32)
                if level == 1:
                    b = lane_off + lax.shift_right_logical(bits, 21)
                    plsc.addupdate_scatter(hist_v, [b], ones)
                else:
                    b1 = lax.shift_right_logical(bits, 21)
                    msk = b1 == bstar
                    b = lane_off + jnp.bitwise_and(
                        lax.shift_right_logical(bits, 10), _NBINS - 1)
                    plsc.addupdate_scatter(hist_v, [b], ones, mask=msk)
            return carry

        lax.fori_loop(0, _CHUNK // (_L * _HU), hbody, None)

        if _NLB > 1:
            def rbody(j, carry):
                acc = hist_v[pl.ds(j * _L, _L)]
                for l in range(1, _NLB):
                    acc = acc + hist_v[pl.ds(l * _NBINS + j * _L, _L)]
                red_v[pl.ds(j * _L, _L)] = acc
                return carry

            lax.fori_loop(0, _NBINS // _L, rbody, None)
        pltpu.sync_copy(red_v, out_hbm.at[wid])

    return pl.kernel(
        body,
        out_type=jax.ShapeDtypeStruct((_NW, _NBINS), jnp.float32),
        mesh=mesh,
        scratch_types=scratch,
        compiler_params=pltpu.CompilerParams(needs_layout_passes=False),
    )


def _suffix_cumsum(x):
    n = x.shape[1]
    sh = 1
    while sh < n:
        x = x + jnp.concatenate(
            [x[:, sh:], jnp.zeros((1, sh), x.dtype)], axis=1)
        sh *= 2
    return x


def _mini1_body(h1_ref, bsel_ref, scal_ref):
    c1 = jnp.sum(h1_ref[...], axis=0, keepdims=True)
    rc1 = _suffix_cumsum(c1)
    kf = jnp.float32(_NMIN)
    bstar = jnp.sum((rc1 >= kf).astype(jnp.float32)) - 1.0
    bins = lax.broadcasted_iota(jnp.int32, (1, _NBINS), 1).astype(jnp.float32)
    c_above = jnp.sum(jnp.where(bins > bstar, c1, 0.0))
    r1 = kf - c_above
    bsel_ref[...] = jnp.broadcast_to(bstar.astype(jnp.int32), (8, 128))
    scal_ref[0, 0] = bstar
    scal_ref[1, 0] = r1


def _mini2_body(ce_ref, h2_ref, scal_ref, acc_ref, res_ref, smi_ref, smf_ref):
    @pl.when(pl.program_id(0) == 0)
    def _select():
        c2 = jnp.sum(h2_ref[...], axis=0, keepdims=True)
        rc2 = _suffix_cumsum(c2)
        r1 = scal_ref[1, 0]
        jstar = jnp.sum((rc2 >= r1).astype(jnp.float32)) - 1.0
        bins = lax.broadcasted_iota(jnp.int32, (1, _NBINS), 1).astype(jnp.float32)
        c_above2 = jnp.sum(jnp.where(bins > jstar, c2, 0.0))
        c_sub = jnp.sum(jnp.where(bins == jstar, c2, 0.0))
        sub_f = scal_ref[0, 0] * jnp.float32(_NBINS) + jstar
        smi_ref[0, 0] = sub_f.astype(jnp.int32)
        smf_ref[0, 0] = 0.0
        smf_ref[1, 0] = 0.0
        smf_ref[2, 0] = r1 - c_above2
        smf_ref[3, 0] = c_sub

    x = ce_ref[...]
    b10 = lax.shift_right_logical(lax.bitcast_convert_type(x, jnp.int32), 10)
    sub = smi_ref[0, 0]
    smf_ref[0, 0] += jnp.sum(jnp.where(b10 > sub, x, 0.0))
    smf_ref[1, 0] += jnp.sum(jnp.where(b10 == sub, x, 0.0))

    @pl.when(pl.program_id(0) == pl.num_programs(0) - 1)
    def _final():
        kf = jnp.float32(_NMIN)
        sum_hi, sum_sub = smf_ref[0, 0], smf_ref[1, 0]
        r2, c_sub = smf_ref[2, 0], smf_ref[3, 0]
        mean_topk = (sum_hi + r2 * sum_sub / c_sub) / kf
        focal = acc_ref[0, 0] / jnp.float32(_N)
        mean_hard = acc_ref[1, 0] / jnp.maximum(acc_ref[2, 0], 1.0)
        ohem = jnp.where(acc_ref[2, 0] < kf, mean_topk, mean_hard)
        res_ref[0, 0] = focal + ohem


_MINI2_ROWS = 512


def _ohem_select(ce, acc):
    ce_flat = ce.reshape(-1)
    out1 = _hist_level(1)(ce_flat)
    bsel, scal1 = pl.pallas_call(
        _mini1_body,
        grid=(1,),
        in_specs=[pl.BlockSpec((_NW, _NBINS), lambda i: (0, 0))],
        out_specs=[
            pl.BlockSpec((8, 128), lambda i: (0, 0)),
            pl.BlockSpec((2, 1), lambda i: (0, 0), memory_space=pltpu.SMEM),
        ],
        out_shape=[
            jax.ShapeDtypeStruct((8, 128), jnp.int32),
            jax.ShapeDtypeStruct((2, 1), jnp.float32),
        ],
    )(out1)
    out2 = _hist_level(2)(ce_flat, bsel)
    res = pl.pallas_call(
        _mini2_body,
        grid=(_B * _H // _MINI2_ROWS,),
        in_specs=[
            pl.BlockSpec((_MINI2_ROWS, _W), lambda i: (i, 0)),
            pl.BlockSpec((_NW, _NBINS), lambda i: (0, 0)),
            pl.BlockSpec((2, 1), lambda i: (0, 0), memory_space=pltpu.SMEM),
            pl.BlockSpec((3, 1), lambda i: (0, 0), memory_space=pltpu.SMEM),
        ],
        out_specs=pl.BlockSpec((1, 1), lambda i: (0, 0),
                               memory_space=pltpu.SMEM),
        out_shape=jax.ShapeDtypeStruct((1, 1), jnp.float32),
        scratch_shapes=[
            pltpu.SMEM((1, 1), jnp.int32),
            pltpu.SMEM((4, 1), jnp.float32),
        ],
    )(ce, out2, scal1, acc)
    return res


def kernel(preds, targets):
    ce, acc = _ce_pass(preds, targets)
    res = _ohem_select(ce, acc)
    return res[0, 0]

# --- scband reference (transcript-rebuilt; emitter-appended) ---
"""Pipeline reference for scband-ohem-with-focal-loss-75522704933508 (READ-ONLY COPY).

The authoritative reference and input builder live on the scoring server;
editing this copy changes nothing except your own understanding.
"""

import jax, jax.numpy as jnp
import numpy as np

LB_IGNORE = 255
GAMMA = 2.0
THRESH = 0.7


def _per_pixel_ce(preds, targets):
    # preds: [B, C, H, W], targets: [B, H, W]
    valid = targets != LB_IGNORE
    tgt_safe = jnp.where(valid, targets, 0)
    logz = jax.nn.logsumexp(preds, axis=1)  # [B, H, W]
    tgt_logit = jnp.take_along_axis(preds, tgt_safe[:, None, :, :], axis=1)[:, 0]  # [B, H, W]
    ce = logz - tgt_logit
    ce = jnp.where(valid, ce, 0.0)  # ignore_index contributes 0, matching reduction='none'
    return ce, valid


def setup_inputs(seed: int = 0) -> dict:
    key = jax.random.key(seed)
    k1, k2 = jax.random.split(key)
    preds = jax.random.normal(k1, (4, 19, 512, 512), dtype=jnp.float32)
    targets = jax.random.randint(k2, (4, 512, 512), 0, 19, dtype=jnp.int32)
    return {"preds": preds, "targets": targets}


def reference(preds, targets):
    ce, valid = _per_pixel_ce(preds, targets)
    # FocalLoss: mean over ALL elements (ignored pixels contribute 0 ce -> 0 focal term)
    p = jnp.exp(-ce)
    focal = jnp.mean(((1.0 - p) ** GAMMA) * ce)
    # OhemCELoss
    n_min = valid.size // 16
    thresh = -jnp.log(jnp.float32(THRESH))
    loss = ce.reshape(-1)
    hard_mask = loss > thresh
    cnt_hard = jnp.sum(hard_mask)
    sum_hard = jnp.sum(jnp.where(hard_mask, loss, 0.0))
    mean_hard = sum_hard / jnp.maximum(cnt_hard, 1).astype(loss.dtype)
    topk_vals, _ = jax.lax.top_k(loss, n_min)
    mean_topk = jnp.mean(topk_vals)
    ohem = jnp.where(cnt_hard < n_min, mean_topk, mean_hard)
    return focal + ohem

if __name__ == "__main__":
    import jax
    _d = setup_inputs()
    print(jax.jit(kernel)(*tuple(_d.values())))

</pallas_src>

<mosaic_0001>
#map = affine_map<(d0, d1) -> (0)>
#map1 = affine_map<(d0, d1) -> (0, 0)>
module attributes {stable_mosaic.version = 14 : i64} {
  func.func @body(%arg0: i32, %arg1: i32, %arg2: memref<1048576xf32, #tpu.memory_space<hbm>>, %arg3: memref<8x128xi32, #tpu.memory_space<hbm>>, %arg4: memref<32x2048xf32, #tpu.memory_space<hbm>>, %arg5: memref<32768xf32, #tpu.memory_space<vmem>>, %arg6: memref<2048xf32, #tpu.memory_space<vmem>>, %arg7: memref<16xi32, #tpu.memory_space<vmem>>) attributes {dimension_semantics = [#tpu.dimension_semantics<core_parallel>, #tpu.dimension_semantics<subcore_parallel>], iteration_bounds = array<i64: 2, 16>, scalar_prefetch = 0 : i64, scratch_operands = 3 : i64, tpu.core_type = #tpu.core_type<sc_vector_subcore>, window_params = [{transform_indices = #map}, {transform_indices = #map1}, {transform_indices = #map1}]} {
    %mul3A = arith.constant 2 : i32
    %mul3A_0 = arith.muli %arg1, %mul3A : i32
    %add3A = arith.addi %mul3A_0, %arg0 : i32
    %mul3A_1 = arith.constant 32768 : i32
    %mul3A_2 = arith.muli %add3A, %mul3A_1 : i32
    "tpu.region"() ({
      %run_scoped3A_34 = tpu.sem_alloc : memref<!tpu.dma_semaphore, #tpu.memory_space<semaphore_mem>>
      %dma_start3A = tpu.memref_slice %arg2[%mul3A_2] : memref<1048576xf32, #tpu.memory_space<hbm>> -> memref<32768xf32, #tpu.memory_space<hbm>>
      %dma_start3A_35 = tpu.memref_slice %arg2[%mul3A_2] : memref<1048576xf32, #tpu.memory_space<hbm>> -> memref<32768xf32, #tpu.memory_space<hbm>>
      tpu.enqueue_dma source(%dma_start3A_35 : memref<32768xf32, #tpu.memory_space<hbm>>) target(%arg5 : memref<32768xf32, #tpu.memory_space<vmem>>) target_semaphore(%run_scoped3A_34 : memref<!tpu.dma_semaphore, #tpu.memory_space<semaphore_mem>>)
      %dma_wait3A = tpu.memref_slice %arg2[%mul3A_2] : memref<1048576xf32, #tpu.memory_space<hbm>> -> memref<32768xf32, #tpu.memory_space<hbm>>
      %dma_wait3A_36 = tpu.memref_slice %arg2[%mul3A_2] : memref<1048576xf32, #tpu.memory_space<hbm>> -> memref<32768xf32, #tpu.memory_space<hbm>>
      tpu.wait_dma2 semaphore(%run_scoped3A_34 : memref<!tpu.dma_semaphore, #tpu.memory_space<semaphore_mem>>) src(%dma_wait3A_36 : memref<32768xf32, #tpu.memory_space<hbm>>) dst(%arg5 : memref<32768xf32, #tpu.memory_space<vmem>>)
      tpu.yield
    }) : () -> ()
    %run_scoped3A = arith.constant 0 : i32
    "tpu.region"() ({
      %run_scoped3A_34 = tpu.sem_alloc : memref<!tpu.dma_semaphore, #tpu.memory_space<semaphore_mem>>
      %dma_start3A = arith.constant 0 : i32
      %dma_start3A_35 = tpu.memref_slice %arg3[%run_scoped3A, %dma_start3A] : memref<8x128xi32, #tpu.memory_space<hbm>> -> memref<1x16xi32, #tpu.memory_space<hbm>>
      %dma_start3A_36 = tpu.memref_squeeze %dma_start3A_35 : memref<1x16xi32, #tpu.memory_space<hbm>> -> memref<16xi32, #tpu.memory_space<hbm>>
      %dma_start3A_37 = arith.constant 0 : i32
      %dma_start3A_38 = tpu.memref_slice %arg3[%run_scoped3A, %dma_start3A_37] : memref<8x128xi32, #tpu.memory_space<hbm>> -> memref<1x16xi32, #tpu.memory_space<hbm>>
      %dma_start3A_39 = tpu.memref_squeeze %dma_start3A_38 : memref<1x16xi32, #tpu.memory_space<hbm>> -> memref<16xi32, #tpu.memory_space<hbm>>
      tpu.enqueue_dma source(%dma_start3A_39 : memref<16xi32, #tpu.memory_space<hbm>>) target(%arg7 : memref<16xi32, #tpu.memory_space<vmem>>) target_semaphore(%run_scoped3A_34 : memref<!tpu.dma_semaphore, #tpu.memory_space<semaphore_mem>>)
      %dma_wait3A = arith.constant 0 : i32
      %dma_wait3A_40 = tpu.memref_slice %arg3[%run_scoped3A, %dma_wait3A] : memref<8x128xi32, #tpu.memory_space<hbm>> -> memref<1x16xi32, #tpu.memory_space<hbm>>
      %dma_wait3A_41 = tpu.memref_squeeze %dma_wait3A_40 : memref<1x16xi32, #tpu.memory_space<hbm>> -> memref<16xi32, #tpu.memory_space<hbm>>
      %dma_wait3A_42 = arith.constant 0 : i32
      %dma_wait3A_43 = tpu.memref_slice %arg3[%run_scoped3A, %dma_wait3A_42] : memref<8x128xi32, #tpu.memory_space<hbm>> -> memref<1x16xi32, #tpu.memory_space<hbm>>
      %dma_wait3A_44 = tpu.memref_squeeze %dma_wait3A_43 : memref<1x16xi32, #tpu.memory_space<hbm>> -> memref<16xi32, #tpu.memory_space<hbm>>
      tpu.wait_dma2 semaphore(%run_scoped3A_34 : memref<!tpu.dma_semaphore, #tpu.memory_space<semaphore_mem>>) src(%dma_wait3A_44 : memref<16xi32, #tpu.memory_space<hbm>>) dst(%arg7 : memref<16xi32, #tpu.memory_space<vmem>>)
      tpu.yield
    }) : () -> ()
    %get3A = arith.constant 0 : index
    %get3A_3 = tpu.vector_load %arg7[%get3A] {strides = array<i32>} : memref<16xi32, #tpu.memory_space<vmem>>, vector<16xi32>,
    %broadcast_in_dim3A = arith.constant 0.000000e+00 : f32
    %broadcast_in_dim3A_4 = vector.broadcast %broadcast_in_dim3A : f32 to vector<16xf32>
    %scan3A = arith.constant 0 : i32
    %scan3A_5 = arith.constant 16 : i32
    %scan3A_6 = arith.addi %scan3A, %scan3A_5 : i32
    %scan3A_7 = arith.constant 1 : i32
    scf.for %scan3A_34 = %scan3A to %scan3A_6 step %scan3A_7  : i32 {
      %mul3A_35 = arith.constant 8 : i32
      %mul3A_36 = arith.muli %scan3A_34, %mul3A_35 : i32
      %add3A_37 = arith.constant 0 : i32
      %add3A_38 = arith.addi %mul3A_36, %add3A_37 : i32
      %mul3A_39 = arith.constant 16 : i32
      %mul3A_40 = arith.muli %add3A_38, %mul3A_39 : i32
      %swap3A = arith.index_cast %mul3A_40 : i32 to index
      %swap3A_41 = tpu.vector_load %arg6[%swap3A] {strides = array<i32>} : memref<2048xf32, #tpu.memory_space<vmem>>, vector<16xf32>,
      tpu.vector_store %arg6[%swap3A], %broadcast_in_dim3A_4 {strides = array<i32>} : memref<2048xf32, #tpu.memory_space<vmem>>, vector<16xf32>,
      %mul3A_42 = arith.constant 8 : i32
      %mul3A_43 = arith.muli %scan3A_34, %mul3A_42 : i32
      %add3A_44 = arith.constant 1 : i32
      %add3A_45 = arith.addi %mul3A_43, %add3A_44 : i32
      %mul3A_46 = arith.constant 16 : i32
      %mul3A_47 = arith.muli %add3A_45, %mul3A_46 : i32
      %swap3A_48 = arith.index_cast %mul3A_47 : i32 to index
      %swap3A_49 = tpu.vector_load %arg6[%swap3A_48] {strides = array<i32>} : memref<2048xf32, #tpu.memory_space<vmem>>, vector<16xf32>,
      tpu.vector_store %arg6[%swap3A_48], %broadcast_in_dim3A_4 {strides = array<i32>} : memref<2048xf32, #tpu.memory_space<vmem>>, vector<16xf32>,
      %mul3A_50 = arith.constant 8 : i32
      %mul3A_51 = arith.muli %scan3A_34, %mul3A_50 : i32
      %add3A_52 = arith.constant 2 : i32
      %add3A_53 = arith.addi %mul3A_51, %add3A_52 : i32
      %mul3A_54 = arith.constant 16 : i32
      %mul3A_55 = arith.muli %add3A_53, %mul3A_54 : i32
      %swap3A_56 = arith.index_cast %mul3A_55 : i32 to index
      %swap3A_57 = tpu.vector_load %arg6[%swap3A_56] {strides = array<i32>} : memref<2048xf32, #tpu.memory_space<vmem>>, vector<16xf32>,
      tpu.vector_store %arg6[%swap3A_56], %broadcast_in_dim3A_4 {strides = array<i32>} : memref<2048xf32, #tpu.memory_space<vmem>>, vector<16xf32>,
      %mul3A_58 = arith.constant 8 : i32
      %mul3A_59 = arith.muli %scan3A_34, %mul3A_58 : i32
      %add3A_60 = arith.constant 3 : i32
      %add3A_61 = arith.addi %mul3A_59, %add3A_60 : i32
      %mul3A_62 = arith.constant 16 : i32
      %mul3A_63 = arith.muli %add3A_61, %mul3A_62 : i32
      %swap3A_64 = arith.index_cast %mul3A_63 : i32 to index
      %swap3A_65 = tpu.vector_load %arg6[%swap3A_64] {strides = array<i32>} : memref<2048xf32, #tpu.memory_space<vmem>>, vector<16xf32>,
      tpu.vector_store %arg6[%swap3A_64], %broadcast_in_dim3A_4 {strides = array<i32>} : memref<2048xf32, #tpu.memory_space<vmem>>, vector<16xf32>,
      %mul3A_66 = arith.constant 8 : i32
      %mul3A_67 = arith.muli %scan3A_34, %mul3A_66 : i32
      %add3A_68 = arith.constant 4 : i32
      %add3A_69 = arith.addi %mul3A_67, %add3A_68 : i32
      %mul3A_70 = arith.constant 16 : i32
      %mul3A_71 = arith.muli %add3A_69, %mul3A_70 : i32
      %swap3A_72 = arith.index_cast %mul3A_71 : i32 to index
      %swap3A_73 = tpu.vector_load %arg6[%swap3A_72] {strides = array<i32>} : memref<2048xf32, #tpu.memory_space<vmem>>, vector<16xf32>,
      tpu.vector_store %arg6[%swap3A_72], %broadcast_in_dim3A_4 {strides = array<i32>} : memref<2048xf32, #tpu.memory_space<vmem>>, vector<16xf32>,
      %mul3A_74 = arith.constant 8 : i32
      %mul3A_75 = arith.muli %scan3A_34, %mul3A_74 : i32
      %add3A_76 = arith.constant 5 : i32
      %add3A_77 = arith.addi %mul3A_75, %add3A_76 : i32
      %mul3A_78 = arith.constant 16 : i32
      %mul3A_79 = arith.muli %add3A_77, %mul3A_78 : i32
      %swap3A_80 = arith.index_cast %mul3A_79 : i32 to index
      %swap3A_81 = tpu.vector_load %arg6[%swap3A_80] {strides = array<i32>} : memref<2048xf32, #tpu.memory_space<vmem>>, vector<16xf32>,
      tpu.vector_store %arg6[%swap3A_80], %broadcast_in_dim3A_4 {strides = array<i32>} : memref<2048xf32, #tpu.memory_space<vmem>>, vector<16xf32>,
      %mul3A_82 = arith.constant 8 : i32
      %mul3A_83 = arith.muli %scan3A_34, %mul3A_82 : i32
      %add3A_84 = arith.constant 6 : i32
      %add3A_85 = arith.addi %mul3A_83, %add3A_84 : i32
      %mul3A_86 = arith.constant 16 : i32
      %mul3A_87 = arith.muli %add3A_85, %mul3A_86 : i32
      %swap3A_88 = arith.index_cast %mul3A_87 : i32 to index
      %swap3A_89 = tpu.vector_load %arg6[%swap3A_88] {strides = array<i32>} : memref<2048xf32, #tpu.memory_space<vmem>>, vector<16xf32>,
      tpu.vector_store %arg6[%swap3A_88], %broadcast_in_dim3A_4 {strides = array<i32>} : memref<2048xf32, #tpu.memory_space<vmem>>, vector<16xf32>,
      %mul3A_90 = arith.constant 8 : i32
      %mul3A_91 = arith.muli %scan3A_34, %mul3A_90 : i32
      %add3A_92 = arith.constant 7 : i32
      %add3A_93 = arith.addi %mul3A_91, %add3A_92 : i32
      %mul3A_94 = arith.constant 16 : i32
      %mul3A_95 = arith.muli %add3A_93, %mul3A_94 : i32
      %swap3A_96 = arith.index_cast %mul3A_95 : i32 to index
      %swap3A_97 = tpu.vector_load %arg6[%swap3A_96] {strides = array<i32>} : memref<2048xf32, #tpu.memory_space<vmem>>, vector<16xf32>,
      tpu.vector_store %arg6[%swap3A_96], %broadcast_in_dim3A_4 {strides = array<i32>} : memref<2048xf32, #tpu.memory_space<vmem>>, vector<16xf32>,
    }
    %scan3A_8 = arith.constant 16 : i32
    %broadcast_in_dim3A_9 = arith.constant 1.000000e+00 : f32
    %broadcast_in_dim3A_10 = vector.broadcast %broadcast_in_dim3A_9 : f32 to vector<16xf32>
    %iota3A = tpu.iota {dimensions = array<i32: 0>} : vector<16xi32>
    %jit3A = arith.constant 1 : i32
    %eq3A = arith.constant 0 : i32
    %eq3A_11 = arith.cmpi eq, %jit3A, %eq3A : i32
    %jit3A_12 = arith.constant 1 : i32
    %select_n3A = arith.select %eq3A_11, %jit3A_12, %jit3A : i32
    %rem3A = vector.broadcast %select_n3A : i32 to vector<16xi32>
    %rem3A_13 = arith.remsi %iota3A, %rem3A : vector<16xi32>
    %ne3A = arith.constant 0 : i32
    %ne3A_14 = vector.broadcast %ne3A : i32 to vector<16xi32>
    %ne3A_15 = arith.cmpi ne, %rem3A_13, %ne3A_14 : vector<16xi32>
    %lt3A = arith.constant 0 : i32
    %lt3A_16 = vector.broadcast %lt3A : i32 to vector<16xi32>
    %lt3A_17 = arith.cmpi slt, %rem3A_13, %lt3A_16 : vector<16xi32>
    %lt3A_18 = arith.constant 0 : i32
    %lt3A_19 = arith.cmpi slt, %select_n3A, %lt3A_18 : i32
    %ne3A_20 = vector.broadcast %lt3A_19 : i1 to vector<16xi1>
    %ne3A_21 = vector.broadcast %ne3A_20 : vector<16xi1> to vector<16xi1>
    %ne3A_22 = arith.xori %lt3A_17, %ne3A_21 : vector<16xi1>
    %and3A = arith.andi %ne3A_22, %ne3A_15 : vector<16xi1>
    %add3A_23 = vector.broadcast %select_n3A : i32 to vector<16xi32>
    %add3A_24 = arith.addi %rem3A_13, %add3A_23 : vector<16xi32>
    %select_n3A_25 = arith.select %and3A, %add3A_24, %rem3A_13 : vector<16xi1>, vector<16xi32>
    %mul3A_26 = arith.constant 2048 : i32
    %mul3A_27 = vector.broadcast %mul3A_26 : i32 to vector<16xi32>
    %mul3A_28 = arith.muli %select_n3A_25, %mul3A_27 : vector<16xi32>
    %scan3A_29 = arith.constant 0 : i32
    %scan3A_30 = arith.constant 128 : i32
    %scan3A_31 = arith.addi %scan3A_29, %scan3A_30 : i32
    %scan3A_32 = arith.constant 1 : i32
    scf.for %scan3A_34 = %scan3A_29 to %scan3A_31 step %scan3A_32  : i32 {
      %mul3A_35 = arith.constant 16 : i32
      %mul3A_36 = arith.muli %scan3A_34, %mul3A_35 : i32
      %add3A_37 = arith.constant 0 : i32
      %add3A_38 = arith.addi %mul3A_36, %add3A_37 : i32
      %mul3A_39 = arith.constant 16 : i32
      %mul3A_40 = arith.muli %add3A_38, %mul3A_39 : i32
      %get3A_41 = arith.index_cast %mul3A_40 : i32 to index
      %get3A_42 = tpu.vector_load %arg5[%get3A_41] {strides = array<i32>} : memref<32768xf32, #tpu.memory_space<vmem>>, vector<16xf32>,
      %bitcast_convert_type3A = tpu.bitcast %get3A_42 : vector<16xf32> -> vector<16xi32>
      %shift_right_logical3A = arith.constant 21 : i32
      %shift_right_logical3A_43 = vector.broadcast %shift_right_logical3A : i32 to vector<16xi32>
      %shift_right_logical3A_44 = arith.shrui %bitcast_convert_type3A, %shift_right_logical3A_43 : vector<16xi32>
      %eq3A_45 = arith.cmpi eq, %shift_right_logical3A_44, %get3A_3 : vector<16xi32>
      %shift_right_logical3A_46 = arith.constant 10 : i32
      %shift_right_logical3A_47 = vector.broadcast %shift_right_logical3A_46 : i32 to vector<16xi32>
      %shift_right_logical3A_48 = arith.shrui %bitcast_convert_type3A, %shift_right_logical3A_47 : vector<16xi32>
      %and3A_49 = arith.constant 2047 : i32
      %and3A_50 = vector.broadcast %and3A_49 : i32 to vector<16xi32>
      %and3A_51 = arith.andi %shift_right_logical3A_48, %and3A_50 : vector<16xi32>
      %add3A_52 = arith.addi %mul3A_28, %and3A_51 : vector<16xi32>
      tpu.vector_store_idx %arg6[%add3A_52], %broadcast_in_dim3A_10 masked %eq3A_45 {add = true} : memref<2048xf32, #tpu.memory_space<vmem>>[vector<16xi32>], vector<16xf32>, vector<16xi1>
      %mul3A_53 = arith.constant 16 : i32
      %mul3A_54 = arith.muli %scan3A_34, %mul3A_53 : i32
      %add3A_55 = arith.constant 1 : i32
      %add3A_56 = arith.addi %mul3A_54, %add3A_55 : i32
      %mul3A_57 = arith.constant 16 : i32
      %mul3A_58 = arith.muli %add3A_56, %mul3A_57 : i32
      %get3A_59 = arith.index_cast %mul3A_58 : i32 to index
      %get3A_60 = tpu.vector_load %arg5[%get3A_59] {strides = array<i32>} : memref<32768xf32, #tpu.memory_space<vmem>>, vector<16xf32>,
      %bitcast_convert_type3A_61 = tpu.bitcast %get3A_60 : vector<16xf32> -> vector<16xi32>
      %shift_right_logical3A_62 = arith.constant 21 : i32
      %shift_right_logical3A_63 = vector.broadcast %shift_right_logical3A_62 : i32 to vector<16xi32>
      %shift_right_logical3A_64 = arith.shrui %bitcast_convert_type3A_61, %shift_right_logical3A_63 : vector<16xi32>
      %eq3A_65 = arith.cmpi eq, %shift_right_logical3A_64, %get3A_3 : vector<16xi32>
      %shift_right_logical3A_66 = arith.constant 10 : i32
      %shift_right_logical3A_67 = vector.broadcast %shift_right_logical3A_66 : i32 to vector<16xi32>
      %shift_right_logical3A_68 = arith.shrui %bitcast_convert_type3A_61, %shift_right_logical3A_67 : vector<16xi32>
      %and3A_69 = arith.constant 2047 : i32
      %and3A_70 = vector.broadcast %and3A_69 : i32 to vector<16xi32>
      %and3A_71 = arith.andi %shift_right_logical3A_68, %and3A_70 : vector<16xi32>
      %add3A_72 = arith.addi %mul3A_28, %and3A_71 : vector<16xi32>
      tpu.vector_store_idx %arg6[%add3A_72], %broadcast_in_dim3A_10 masked %eq3A_65 {add = true} : memref<2048xf32, #tpu.memory_space<vmem>>[vector<16xi32>], vector<16xf32>, vector<16xi1>
      %mul3A_73 = arith.constant 16 : i32
      %mul3A_74 = arith.muli %scan3A_34, %mul3A_73 : i32
      %add3A_75 = arith.constant 2 : i32
      %add3A_76 = arith.addi %mul3A_74, %add3A_75 : i32
      %mul3A_77 = arith.constant 16 : i32
      %mul3A_78 = arith.muli %add3A_76, %mul3A_77 : i32
      %get3A_79 = arith.index_cast %mul3A_78 : i32 to index
      %get3A_80 = tpu.vector_load %arg5[%get3A_79] {strides = array<i32>} : memref<32768xf32, #tpu.memory_space<vmem>>, vector<16xf32>,
      %bitcast_convert_type3A_81 = tpu.bitcast %get3A_80 : vector<16xf32> -> vector<16xi32>
      %shift_right_logical3A_82 = arith.constant 21 : i32
      %shift_right_logical3A_83 = vector.broadcast %shift_right_logical3A_82 : i32 to vector<16xi32>
      %shift_right_logical3A_84 = arith.shrui %bitcast_convert_type3A_81, %shift_right_logical3A_83 : vector<16xi32>
      %eq3A_85 = arith.cmpi eq, %shift_right_logical3A_84, %get3A_3 : vector<16xi32>
      %shift_right_logical3A_86 = arith.constant 10 : i32
      %shift_right_logical3A_87 = vector.broadcast %shift_right_logical3A_86 : i32 to vector<16xi32>
      %shift_right_logical3A_88 = arith.shrui %bitcast_convert_type3A_81, %shift_right_logical3A_87 : vector<16xi32>
      %and3A_89 = arith.constant 2047 : i32
      %and3A_90 = vector.broadcast %and3A_89 : i32 to vector<16xi32>
      %and3A_91 = arith.andi %shift_right_logical3A_88, %and3A_90 : vector<16xi32>
      %add3A_92 = arith.addi %mul3A_28, %and3A_91 : vector<16xi32>
      tpu.vector_store_idx %arg6[%add3A_92], %broadcast_in_dim3A_10 masked %eq3A_85 {add = true} : memref<2048xf32, #tpu.memory_space<vmem>>[vector<16xi32>], vector<16xf32>, vector<16xi1>
      %mul3A_93 = arith.constant 16 : i32
      %mul3A_94 = arith.muli %scan3A_34, %mul3A_93 : i32
      %add3A_95 = arith.constant 3 : i32
      %add3A_96 = arith.addi %mul3A_94, %add3A_95 : i32
      %mul3A_97 = arith.constant 16 : i32
      %mul3A_98 = arith.muli %add3A_96, %mul3A_97 : i32
      %get3A_99 = arith.index_cast %mul3A_98 : i32 to index
      %get3A_100 = tpu.vector_load %arg5[%get3A_99] {strides = array<i32>} : memref<32768xf32, #tpu.memory_space<vmem>>, vector<16xf32>,
      %bitcast_convert_type3A_101 = tpu.bitcast %get3A_100 : vector<16xf32> -> vector<16xi32>
      %shift_right_logical3A_102 = arith.constant 21 : i32
      %shift_right_logical3A_103 = vector.broadcast %shift_right_logical3A_102 : i32 to vector<16xi32>
      %shift_right_logical3A_104 = arith.shrui %bitcast_convert_type3A_101, %shift_right_logical3A_103 : vector<16xi32>
      %eq3A_105 = arith.cmpi eq, %shift_right_logical3A_104, %get3A_3 : vector<16xi32>
      %shift_right_logical3A_106 = arith.constant 10 : i32
      %shift_right_logical3A_107 = vector.broadcast %shift_right_logical3A_106 : i32 to vector<16xi32>
      %shift_right_logical3A_108 = arith.shrui %bitcast_convert_type3A_101, %shift_right_logical3A_107 : vector<16xi32>
      %and3A_109 = arith.constant 2047 : i32
      %and3A_110 = vector.broadcast %and3A_109 : i32 to vector<16xi32>
      %and3A_111 = arith.andi %shift_right_logical3A_108, %and3A_110 : vector<16xi32>
      %add3A_112 = arith.addi %mul3A_28, %and3A_111 : vector<16xi32>
      tpu.vector_store_idx %arg6[%add3A_112], %broadcast_in_dim3A_10 masked %eq3A_105 {add = true} : memref<2048xf32, #tpu.memory_space<vmem>>[vector<16xi32>], vector<16xf32>, vector<16xi1>
      %mul3A_113 = arith.constant 16 : i32
      %mul3A_114 = arith.muli %scan3A_34, %mul3A_113 : i32
      %add3A_115 = arith.constant 4 : i32
      %add3A_116 = arith.addi %mul3A_114, %add3A_115 : i32
      %mul3A_117 = arith.constant 16 : i32
      %mul3A_118 = arith.muli %add3A_116, %mul3A_117 : i32
      %get3A_119 = arith.index_cast %mul3A_118 : i32 to index
      %get3A_120 = tpu.vector_load %arg5[%get3A_119] {strides = array<i32>} : memref<32768xf32, #tpu.memory_space<vmem>>, vector<16xf32>,
      %bitcast_convert_type3A_121 = tpu.bitcast %get3A_120 : vector<16xf32> -> vector<16xi32>
      %shift_right_logical3A_122 = arith.constant 21 : i32
      %shift_right_logical3A_123 = vector.broadcast %shift_right_logical3A_122 : i32 to vector<16xi32>
      %shift_right_logical3A_124 = arith.shrui %bitcast_convert_type3A_121, %shift_right_logical3A_123 : vector<16xi32>
      %eq3A_125 = arith.cmpi eq, %shift_right_logical3A_124, %get3A_3 : vector<16xi32>
      %shift_right_logical3A_126 = arith.constant 10 : i32
      %shift_right_logical3A_127 = vector.broadcast %shift_right_logical3A_126 : i32 to vector<16xi32>
      %shift_right_logical3A_128 = arith.shrui %bitcast_convert_type3A_121, %shift_right_logical3A_127 : vector<16xi32>
      %and3A_129 = arith.constant 2047 : i32
      %and3A_130 = vector.broadcast %and3A_129 : i32 to vector<16xi32>
      %and3A_131 = arith.andi %shift_right_logical3A_128, %and3A_130 : vector<16xi32>
      %add3A_132 = arith.addi %mul3A_28, %and3A_131 : vector<16xi32>
      tpu.vector_store_idx %arg6[%add3A_132], %broadcast_in_dim3A_10 masked %eq3A_125 {add = true} : memref<2048xf32, #tpu.memory_space<vmem>>[vector<16xi32>], vector<16xf32>, vector<16xi1>
      %mul3A_133 = arith.constant 16 : i32
      %mul3A_134 = arith.muli %scan3A_34, %mul3A_133 : i32
      %add3A_135 = arith.constant 5 : i32
      %add3A_136 = arith.addi %mul3A_134, %add3A_135 : i32
      %mul3A_137 = arith.constant 16 : i32
      %mul3A_138 = arith.muli %add3A_136, %mul3A_137 : i32
      %get3A_139 = arith.index_cast %mul3A_138 : i32 to index
      %get3A_140 = tpu.vector_load %arg5[%get3A_139] {strides = array<i32>} : memref<32768xf32, #tpu.memory_space<vmem>>, vector<16xf32>,
      %bitcast_convert_type3A_141 = tpu.bitcast %get3A_140 : vector<16xf32> -> vector<16xi32>
      %shift_right_logical3A_142 = arith.constant 21 : i32
      %shift_right_logical3A_143 = vector.broadcast %shift_right_logical3A_142 : i32 to vector<16xi32>
      %shift_right_logical3A_144 = arith.shrui %bitcast_convert_type3A_141, %shift_right_logical3A_143 : vector<16xi32>
      %eq3A_145 = arith.cmpi eq, %shift_right_logical3A_144, %get3A_3 : vector<16xi32>
      %shift_right_logical3A_146 = arith.constant 10 : i32
      %shift_right_logical3A_147 = vector.broadcast %shift_right_logical3A_146 : i32 to vector<16xi32>
      %shift_right_logical3A_148 = arith.shrui %bitcast_convert_type3A_141, %shift_right_logical3A_147 : vector<16xi32>
      %and3A_149 = arith.constant 2047 : i32
      %and3A_150 = vector.broadcast %and3A_149 : i32 to vector<16xi32>
      %and3A_151 = arith.andi %shift_right_logical3A_148, %and3A_150 : vector<16xi32>
      %add3A_152 = arith.addi %mul3A_28, %and3A_151 : vector<16xi32>
      tpu.vector_store_idx %arg6[%add3A_152], %broadcast_in_dim3A_10 masked %eq3A_145 {add = true} : memref<2048xf32, #tpu.memory_space<vmem>>[vector<16xi32>], vector<16xf32>, vector<16xi1>
      %mul3A_153 = arith.constant 16 : i32
      %mul3A_154 = arith.muli %scan3A_34, %mul3A_153 : i32
      %add3A_155 = arith.constant 6 : i32
      %add3A_156 = arith.addi %mul3A_154, %add3A_155 : i32
      %mul3A_157 = arith.constant 16 : i32
      %mul3A_158 = arith.muli %add3A_156, %mul3A_157 : i32
      %get3A_159 = arith.index_cast %mul3A_158 : i32 to index
      %get3A_160 = tpu.vector_load %arg5[%get3A_159] {strides = array<i32>} : memref<32768xf32, #tpu.memory_space<vmem>>, vector<16xf32>,
      %bitcast_convert_type3A_161 = tpu.bitcast %get3A_160 : vector<16xf32> -> vector<16xi32>
      %shift_right_logical3A_162 = arith.constant 21 : i32
      %shift_right_logical3A_163 = vector.broadcast %shift_right_logical3A_162 : i32 to vector<16xi32>
      %shift_right_logical3A_164 = arith.shrui %bitcast_convert_type3A_161, %shift_right_logical3A_163 : vector<16xi32>
      %eq3A_165 = arith.cmpi eq, %shift_right_logical3A_164, %get3A_3 : vector<16xi32>
      %shift_right_logical3A_166 = arith.constant 10 : i32
      %shift_right_logical3A_167 = vector.broadcast %shift_right_logical3A_166 : i32 to vector<16xi32>
      %shift_right_logical3A_168 = arith.shrui %bitcast_convert_type3A_161, %shift_right_logical3A_167 : vector<16xi32>
      %and3A_169 = arith.constant 2047 : i32
      %and3A_170 = vector.broadcast %and3A_169 : i32 to vector<16xi32>
      %and3A_171 = arith.andi %shift_right_logical3A_168, %and3A_170 : vector<16xi32>
      %add3A_172 = arith.addi %mul3A_28, %and3A_171 : vector<16xi32>
      tpu.vector_store_idx %arg6[%add3A_172], %broadcast_in_dim3A_10 masked %eq3A_165 {add = true} : memref<2048xf32, #tpu.memory_space<vmem>>[vector<16xi32>], vector<16xf32>, vector<16xi1>
      %mul3A_173 = arith.constant 16 : i32
      %mul3A_174 = arith.muli %scan3A_34, %mul3A_173 : i32
      %add3A_175 = arith.constant 7 : i32
      %add3A_176 = arith.addi %mul3A_174, %add3A_175 : i32
      %mul3A_177 = arith.constant 16 : i32
      %mul3A_178 = arith.muli %add3A_176, %mul3A_177 : i32
      %get3A_179 = arith.index_cast %mul3A_178 : i32 to index
      %get3A_180 = tpu.vector_load %arg5[%get3A_179] {strides = array<i32>} : memref<32768xf32, #tpu.memory_space<vmem>>, vector<16xf32>,
      %bitcast_convert_type3A_181 = tpu.bitcast %get3A_180 : vector<16xf32> -> vector<16xi32>
      %shift_right_logical3A_182 = arith.constant 21 : i32
      %shift_right_logical3A_183 = vector.broadcast %shift_right_logical3A_182 : i32 to vector<16xi32>
      %shift_right_logical3A_184 = arith.shrui %bitcast_convert_type3A_181, %shift_right_logical3A_183 : vector<16xi32>
      %eq3A_185 = arith.cmpi eq, %shift_right_logical3A_184, %get3A_3 : vector<16xi32>
      %shift_right_logical3A_186 = arith.constant 10 : i32
      %shift_right_logical3A_187 = vector.broadcast %shift_right_logical3A_186 : i32 to vector<16xi32>
      %shift_right_logical3A_188 = arith.shrui %bitcast_convert_type3A_181, %shift_right_logical3A_187 : vector<16xi32>
      %and3A_189 = arith.constant 2047 : i32
      %and3A_190 = vector.broadcast %and3A_189 : i32 to vector<16xi32>
      %and3A_191 = arith.andi %shift_right_logical3A_188, %and3A_190 : vector<16xi32>
      %add3A_192 = arith.addi %mul3A_28, %and3A_191 : vector<16xi32>
      tpu.vector_store_idx %arg6[%add3A_192], %broadcast_in_dim3A_10 masked %eq3A_185 {add = true} : memref<2048xf32, #tpu.memory_space<vmem>>[vector<16xi32>], vector<16xf32>, vector<16xi1>
      %mul3A_193 = arith.constant 16 : i32
      %mul3A_194 = arith.muli %scan3A_34, %mul3A_193 : i32
      %add3A_195 = arith.constant 8 : i32
      %add3A_196 = arith.addi %mul3A_194, %add3A_195 : i32
      %mul3A_197 = arith.constant 16 : i32
      %mul3A_198 = arith.muli %add3A_196, %mul3A_197 : i32
      %get3A_199 = arith.index_cast %mul3A_198 : i32 to index
      %get3A_200 = tpu.vector_load %arg5[%get3A_199] {strides = array<i32>} : memref<32768xf32, #tpu.memory_space<vmem>>, vector<16xf32>,
      %bitcast_convert_type3A_201 = tpu.bitcast %get3A_200 : vector<16xf32> -> vector<16xi32>
      %shift_right_logical3A_202 = arith.constant 21 : i32
      %shift_right_logical3A_203 = vector.broadcast %shift_right_logical3A_202 : i32 to vector<16xi32>
      %shift_right_logical3A_204 = arith.shrui %bitcast_convert_type3A_201, %shift_right_logical3A_203 : vector<16xi32>
      %eq3A_205 = arith.cmpi eq, %shift_right_logical3A_204, %get3A_3 : vector<16xi32>
      %shift_right_logical3A_206 = arith.constant 10 : i32
      %shift_right_logical3A_207 = vector.broadcast %shift_right_logical3A_206 : i32 to vector<16xi32>
      %shift_right_logical3A_208 = arith.shrui %bitcast_convert_type3A_201, %shift_right_logical3A_207 : vector<16xi32>
      %and3A_209 = arith.constant 2047 : i32
      %and3A_210 = vector.broadcast %and3A_209 : i32 to vector<16xi32>
      %and3A_211 = arith.andi %shift_right_logical3A_208, %and3A_210 : vector<16xi32>
      %add3A_212 = arith.addi %mul3A_28, %and3A_211 : vector<16xi32>
      tpu.vector_store_idx %arg6[%add3A_212], %broadcast_in_dim3A_10 masked %eq3A_205 {add = true} : memref<2048xf32, #tpu.memory_space<vmem>>[vector<16xi32>], vector<16xf32>, vector<16xi1>
      %mul3A_213 = arith.constant 16 : i32
      %mul3A_214 = arith.muli %scan3A_34, %mul3A_213 : i32
      %add3A_215 = arith.constant 9 : i32
      %add3A_216 = arith.addi %mul3A_214, %add3A_215 : i32
      %mul3A_217 = arith.constant 16 : i32
      %mul3A_218 = arith.muli %add3A_216, %mul3A_217 : i32
      %get3A_219 = arith.index_cast %mul3A_218 : i32 to index
      %get3A_220 = tpu.vector_load %arg5[%get3A_219] {strides = array<i32>} : memref<32768xf32, #tpu.memory_space<vmem>>, vector<16xf32>,
      %bitcast_convert_type3A_221 = tpu.bitcast %get3A_220 : vector<16xf32> -> vector<16xi32>
      %shift_right_logical3A_222 = arith.constant 21 : i32
      %shift_right_logical3A_223 = vector.broadcast %shift_right_logical3A_222 : i32 to vector<16xi32>
      %shift_right_logical3A_224 = arith.shrui %bitcast_convert_type3A_221, %shift_right_logical3A_223 : vector<16xi32>
      %eq3A_225 = arith.cmpi eq, %shift_right_logical3A_224, %get3A_3 : vector<16xi32>
      %shift_right_logical3A_226 = arith.constant 10 : i32
      %shift_right_logical3A_227 = vector.broadcast %shift_right_logical3A_226 : i32 to vector<16xi32>
      %shift_right_logical3A_228 = arith.shrui %bitcast_convert_type3A_221, %shift_right_logical3A_227 : vector<16xi32>
      %and3A_229 = arith.constant 2047 : i32
      %and3A_230 = vector.broadcast %and3A_229 : i32 to vector<16xi32>
      %and3A_231 = arith.andi %shift_right_logical3A_228, %and3A_230 : vector<16xi32>
      %add3A_232 = arith.addi %mul3A_28, %and3A_231 : vector<16xi32>
      tpu.vector_store_idx %arg6[%add3A_232], %broadcast_in_dim3A_10 masked %eq3A_225 {add = true} : memref<2048xf32, #tpu.memory_space<vmem>>[vector<16xi32>], vector<16xf32>, vector<16xi1>
      %mul3A_233 = arith.constant 16 : i32
      %mul3A_234 = arith.muli %scan3A_34, %mul3A_233 : i32
      %add3A_235 = arith.constant 10 : i32
      %add3A_236 = arith.addi %mul3A_234, %add3A_235 : i32
      %mul3A_237 = arith.constant 16 : i32
      %mul3A_238 = arith.muli %add3A_236, %mul3A_237 : i32
      %get3A_239 = arith.index_cast %mul3A_238 : i32 to index
      %get3A_240 = tpu.vector_load %arg5[%get3A_239] {strides = array<i32>} : memref<32768xf32, #tpu.memory_space<vmem>>, vector<16xf32>,
      %bitcast_convert_type3A_241 = tpu.bitcast %get3A_240 : vector<16xf32> -> vector<16xi32>
      %shift_right_logical3A_242 = arith.constant 21 : i32
      %shift_right_logical3A_243 = vector.broadcast %shift_right_logical3A_242 : i32 to vector<16xi32>
      %shift_right_logical3A_244 = arith.shrui %bitcast_convert_type3A_241, %shift_right_logical3A_243 : vector<16xi32>
      %eq3A_245 = arith.cmpi eq, %shift_right_logical3A_244, %get3A_3 : vector<16xi32>
      %shift_right_logical3A_246 = arith.constant 10 : i32
      %shift_right_logical3A_247 = vector.broadcast %shift_right_logical3A_246 : i32 to vector<16xi32>
      %shift_right_logical3A_248 = arith.shrui %bitcast_convert_type3A_241, %shift_right_logical3A_247 : vector<16xi32>
      %and3A_249 = arith.constant 2047 : i32
      %and3A_250 = vector.broadcast %and3A_249 : i32 to vector<16xi32>
      %and3A_251 = arith.andi %shift_right_logical3A_248, %and3A_250 : vector<16xi32>
      %add3A_252 = arith.addi %mul3A_28, %and3A_251 : vector<16xi32>
      tpu.vector_store_idx %arg6[%add3A_252], %broadcast_in_dim3A_10 masked %eq3A_245 {add = true} : memref<2048xf32, #tpu.memory_space<vmem>>[vector<16xi32>], vector<16xf32>, vector<16xi1>
      %mul3A_253 = arith.constant 16 : i32
      %mul3A_254 = arith.muli %scan3A_34, %mul3A_253 : i32
      %add3A_255 = arith.constant 11 : i32
      %add3A_256 = arith.addi %mul3A_254, %add3A_255 : i32
      %mul3A_257 = arith.constant 16 : i32
      %mul3A_258 = arith.muli %add3A_256, %mul3A_257 : i32
      %get3A_259 = arith.index_cast %mul3A_258 : i32 to index
      %get3A_260 = tpu.vector_load %arg5[%get3A_259] {strides = array<i32>} : memref<32768xf32, #tpu.memory_space<vmem>>, vector<16xf32>,
      %bitcast_convert_type3A_261 = tpu.bitcast %get3A_260 : vector<16xf32> -> vector<16xi32>
      %shift_right_logical3A_262 = arith.constant 21 : i32
      %shift_right_logical3A_263 = vector.broadcast %shift_right_logical3A_262 : i32 to vector<16xi32>
      %shift_right_logical3A_264 = arith.shrui %bitcast_convert_type3A_261, %shift_right_logical3A_263 : vector<16xi32>
      %eq3A_265 = arith.cmpi eq, %shift_right_logical3A_264, %get3A_3 : vector<16xi32>
      %shift_right_logical3A_266 = arith.constant 10 : i32
      %shift_right_logical3A_267 = vector.broadcast %shift_right_logical3A_266 : i32 to vector<16xi32>
      %shift_right_logical3A_268 = arith.shrui %bitcast_convert_type3A_261, %shift_right_logical3A_267 : vector<16xi32>
      %and3A_269 = arith.constant 2047 : i32
      %and3A_270 = vector.broadcast %and3A_269 : i32 to vector<16xi32>
      %and3A_271 = arith.andi %shift_right_logical3A_268, %and3A_270 : vector<16xi32>
      %add3A_272 = arith.addi %mul3A_28, %and3A_271 : vector<16xi32>
      tpu.vector_store_idx %arg6[%add3A_272], %broadcast_in_dim3A_10 masked %eq3A_265 {add = true} : memref<2048xf32, #tpu.memory_space<vmem>>[vector<16xi32>], vector<16xf32>, vector<16xi1>
      %mul3A_273 = arith.constant 16 : i32
      %mul3A_274 = arith.muli %scan3A_34, %mul3A_273 : i32
      %add3A_275 = arith.constant 12 : i32
      %add3A_276 = arith.addi %mul3A_274, %add3A_275 : i32
      %mul3A_277 = arith.constant 16 : i32
      %mul3A_278 = arith.muli %add3A_276, %mul3A_277 : i32
      %get3A_279 = arith.index_cast %mul3A_278 : i32 to index
      %get3A_280 = tpu.vector_load %arg5[%get3A_279] {strides = array<i32>} : memref<32768xf32, #tpu.memory_space<vmem>>, vector<16xf32>,
      %bitcast_convert_type3A_281 = tpu.bitcast %get3A_280 : vector<16xf32> -> vector<16xi32>
      %shift_right_logical3A_282 = arith.constant 21 : i32
      %shift_right_logical3A_283 = vector.broadcast %shift_right_logical3A_282 : i32 to vector<16xi32>
      %shift_right_logical3A_284 = arith.shrui %bitcast_convert_type3A_281, %shift_right_logical3A_283 : vector<16xi32>
      %eq3A_285 = arith.cmpi eq, %shift_right_logical3A_284, %get3A_3 : vector<16xi32>
      %shift_right_logical3A_286 = arith.constant 10 : i32
      %shift_right_logical3A_287 = vector.broadcast %shift_right_logical3A_286 : i32 to vector<16xi32>
      %shift_right_logical3A_288 = arith.shrui %bitcast_convert_type3A_281, %shift_right_logical3A_287 : vector<16xi32>
      %and3A_289 = arith.constant 2047 : i32
      %and3A_290 = vector.broadcast %and3A_289 : i32 to vector<16xi32>
      %and3A_291 = arith.andi %shift_right_logical3A_288, %and3A_290 : vector<16xi32>
      %add3A_292 = arith.addi %mul3A_28, %and3A_291 : vector<16xi32>
      tpu.vector_store_idx %arg6[%add3A_292], %broadcast_in_dim3A_10 masked %eq3A_285 {add = true} : memref<2048xf32, #tpu.memory_space<vmem>>[vector<16xi32>], vector<16xf32>, vector<16xi1>
      %mul3A_293 = arith.constant 16 : i32
      %mul3A_294 = arith.muli %scan3A_34, %mul3A_293 : i32
      %add3A_295 = arith.constant 13 : i32
      %add3A_296 = arith.addi %mul3A_294, %add3A_295 : i32
      %mul3A_297 = arith.constant 16 : i32
      %mul3A_298 = arith.muli %add3A_296, %mul3A_297 : i32
      %get3A_299 = arith.index_cast %mul3A_298 : i32 to index
      %get3A_300 = tpu.vector_load %arg5[%get3A_299] {strides = array<i32>} : memref<32768xf32, #tpu.memory_space<vmem>>, vector<16xf32>,
      %bitcast_convert_type3A_301 = tpu.bitcast %get3A_300 : vector<16xf32> -> vector<16xi32>
      %shift_right_logical3A_302 = arith.constant 21 : i32
      %shift_right_logical3A_303 = vector.broadcast %shift_right_logical3A_302 : i32 to vector<16xi32>
      %shift_right_logical3A_304 = arith.shrui %bitcast_convert_type3A_301, %shift_right_logical3A_303 : vector<16xi32>
      %eq3A_305 = arith.cmpi eq, %shift_right_logical3A_304, %get3A_3 : vector<16xi32>
      %shift_right_logical3A_306 = arith.constant 10 : i32
      %shift_right_logical3A_307 = vector.broadcast %shift_right_logical3A_306 : i32 to vector<16xi32>
      %shift_right_logical3A_308 = arith.shrui %bitcast_convert_type3A_301, %shift_right_logical3A_307 : vector<16xi32>
      %and3A_309 = arith.constant 2047 : i32
      %and3A_310 = vector.broadcast %and3A_309 : i32 to vector<16xi32>
      %and3A_311 = arith.andi %shift_right_logical3A_308, %and3A_310 : vector<16xi32>
      %add3A_312 = arith.addi %mul3A_28, %and3A_311 : vector<16xi32>
      tpu.vector_store_idx %arg6[%add3A_312], %broadcast_in_dim3A_10 masked %eq3A_305 {add = true} : memref<2048xf32, #tpu.memory_space<vmem>>[vector<16xi32>], vector<16xf32>, vector<16xi1>
      %mul3A_313 = arith.constant 16 : i32
      %mul3A_314 = arith.muli %scan3A_34, %mul3A_313 : i32
      %add3A_315 = arith.constant 14 : i32
      %add3A_316 = arith.addi %mul3A_314, %add3A_315 : i32
      %mul3A_317 = arith.constant 16 : i32
      %mul3A_318 = arith.muli %add3A_316, %mul3A_317 : i32
      %get3A_319 = arith.index_cast %mul3A_318 : i32 to index
      %get3A_320 = tpu.vector_load %arg5[%get3A_319] {strides = array<i32>} : memref<32768xf32, #tpu.memory_space<vmem>>, vector<16xf32>,
      %bitcast_convert_type3A_321 = tpu.bitcast %get3A_320 : vector<16xf32> -> vector<16xi32>
      %shift_right_logical3A_322 = arith.constant 21 : i32
      %shift_right_logical3A_323 = vector.broadcast %shift_right_logical3A_322 : i32 to vector<16xi32>
      %shift_right_logical3A_324 = arith.shrui %bitcast_convert_type3A_321, %shift_right_logical3A_323 : vector<16xi32>
      %eq3A_325 = arith.cmpi eq, %shift_right_logical3A_324, %get3A_3 : vector<16xi32>
      %shift_right_logical3A_326 = arith.constant 10 : i32
      %shift_right_logical3A_327 = vector.broadcast %shift_right_logical3A_326 : i32 to vector<16xi32>
      %shift_right_logical3A_328 = arith.shrui %bitcast_convert_type3A_321, %shift_right_logical3A_327 : vector<16xi32>
      %and3A_329 = arith.constant 2047 : i32
      %and3A_330 = vector.broadcast %and3A_329 : i32 to vector<16xi32>
      %and3A_331 = arith.andi %shift_right_logical3A_328, %and3A_330 : vector<16xi32>
      %add3A_332 = arith.addi %mul3A_28, %and3A_331 : vector<16xi32>
      tpu.vector_store_idx %arg6[%add3A_332], %broadcast_in_dim3A_10 masked %eq3A_325 {add = true} : memref<2048xf32, #tpu.memory_space<vmem>>[vector<16xi32>], vector<16xf32>, vector<16xi1>
      %mul3A_333 = arith.constant 16 : i32
      %mul3A_334 = arith.muli %scan3A_34, %mul3A_333 : i32
      %add3A_335 = arith.constant 15 : i32
      %add3A_336 = arith.addi %mul3A_334, %add3A_335 : i32
      %mul3A_337 = arith.constant 16 : i32
      %mul3A_338 = arith.muli %add3A_336, %mul3A_337 : i32
      %get3A_339 = arith.index_cast %mul3A_338 : i32 to index
      %get3A_340 = tpu.vector_load %arg5[%get3A_339] {strides = array<i32>} : memref<32768xf32, #tpu.memory_space<vmem>>, vector<16xf32>,
      %bitcast_convert_type3A_341 = tpu.bitcast %get3A_340 : vector<16xf32> -> vector<16xi32>
      %shift_right_logical3A_342 = arith.constant 21 : i32
      %shift_right_logical3A_343 = vector.broadcast %shift_right_logical3A_342 : i32 to vector<16xi32>
      %shift_right_logical3A_344 = arith.shrui %bitcast_convert_type3A_341, %shift_right_logical3A_343 : vector<16xi32>
      %eq3A_345 = arith.cmpi eq, %shift_right_logical3A_344, %get3A_3 : vector<16xi32>
      %shift_right_logical3A_346 = arith.constant 10 : i32
      %shift_right_logical3A_347 = vector.broadcast %shift_right_logical3A_346 : i32 to vector<16xi32>
      %shift_right_logical3A_348 = arith.shrui %bitcast_convert_type3A_341, %shift_right_logical3A_347 : vector<16xi32>
      %and3A_349 = arith.constant 2047 : i32
      %and3A_350 = vector.broadcast %and3A_349 : i32 to vector<16xi32>
      %and3A_351 = arith.andi %shift_right_logical3A_348, %and3A_350 : vector<16xi32>
      %add3A_352 = arith.addi %mul3A_28, %and3A_351 : vector<16xi32>
      tpu.vector_store_idx %arg6[%add3A_352], %broadcast_in_dim3A_10 masked %eq3A_345 {add = true} : memref<2048xf32, #tpu.memory_space<vmem>>[vector<16xi32>], vector<16xf32>, vector<16xi1>
    }
    %scan3A_33 = arith.constant 128 : i32
    "tpu.region"() ({
      %run_scoped3A_34 = tpu.sem_alloc : memref<!tpu.dma_semaphore, #tpu.memory_space<semaphore_mem>>
      %dma_start3A = arith.constant 0 : i32
      %dma_start3A_35 = tpu.memref_slice %arg4[%add3A, %dma_start3A] : memref<32x2048xf32, #tpu.memory_space<hbm>> -> memref<1x2048xf32, #tpu.memory_space<hbm>>
      %dma_start3A_36 = tpu.memref_squeeze %dma_start3A_35 : memref<1x2048xf32, #tpu.memory_space<hbm>> -> memref<2048xf32, #tpu.memory_space<hbm>>
      %dma_start3A_37 = arith.constant 0 : i32
      %dma_start3A_38 = tpu.memref_slice %arg4[%add3A, %dma_start3A_37] : memref<32x2048xf32, #tpu.memory_space<hbm>> -> memref<1x2048xf32, #tpu.memory_space<hbm>>
      %dma_start3A_39 = tpu.memref_squeeze %dma_start3A_38 : memref<1x2048xf32, #tpu.memory_space<hbm>> -> memref<2048xf32, #tpu.memory_space<hbm>>
      tpu.enqueue_dma source(%arg6 : memref<2048xf32, #tpu.memory_space<vmem>>) target(%dma_start3A_39 : memref<2048xf32, #tpu.memory_space<hbm>>) target_semaphore(%run_scoped3A_34 : memref<!tpu.dma_semaphore, #tpu.memory_space<semaphore_mem>>)
      %dma_wait3A = arith.constant 0 : i32
      %dma_wait3A_40 = tpu.memref_slice %arg4[%add3A, %dma_wait3A] : memref<32x2048xf32, #tpu.memory_space<hbm>> -> memref<1x2048xf32, #tpu.memory_space<hbm>>
      %dma_wait3A_41 = tpu.memref_squeeze %dma_wait3A_40 : memref<1x2048xf32, #tpu.memory_space<hbm>> -> memref<2048xf32, #tpu.memory_space<hbm>>
      %dma_wait3A_42 = arith.constant 0 : i32
      %dma_wait3A_43 = tpu.memref_slice %arg4[%add3A, %dma_wait3A_42] : memref<32x2048xf32, #tpu.memory_space<hbm>> -> memref<1x2048xf32, #tpu.memory_space<hbm>>
      %dma_wait3A_44 = tpu.memref_squeeze %dma_wait3A_43 : memref<1x2048xf32, #tpu.memory_space<hbm>> -> memref<2048xf32, #tpu.memory_space<hbm>>
      tpu.wait_dma2 semaphore(%run_scoped3A_34 : memref<!tpu.dma_semaphore, #tpu.memory_space<semaphore_mem>>) src(%arg6 : memref<2048xf32, #tpu.memory_space<vmem>>) dst(%dma_wait3A_44 : memref<2048xf32, #tpu.memory_space<hbm>>)
      tpu.yield
    }) : () -> ()
    return
  }
}

#map = affine_map<(d0, d1) -> (0)>
#map1 = affine_map<(d0, d1) -> (0, 0)>
module attributes {stable_mosaic.version = 14 : i64} {
  func.func @body(%arg0: i32, %arg1: i32, %arg2: memref<1048576xf32, #tpu.memory_space<hbm>>, %arg3: memref<32x2048xf32, #tpu.memory_space<hbm>>, %arg4: memref<32768xf32, #tpu.memory_space<vmem>>, %arg5: memref<2048xf32, #tpu.memory_space<vmem>>) attributes {dimension_semantics = [#tpu.dimension_semantics<core_parallel>, #tpu.dimension_semantics<subcore_parallel>], iteration_bounds = array<i64: 2, 16>, scalar_prefetch = 0 : i64, scratch_operands = 2 : i64, tpu.core_type = #tpu.core_type<sc_vector_subcore>, window_params = [{transform_indices = #map}, {transform_indices = #map1}]} {
    %mul3A = arith.constant 2 : i32
    %mul3A_0 = arith.muli %arg1, %mul3A : i32
    %add3A = arith.addi %mul3A_0, %arg0 : i32
    %mul3A_1 = arith.constant 32768 : i32
    %mul3A_2 = arith.muli %add3A, %mul3A_1 : i32
    "tpu.region"() ({
      %run_scoped3A = tpu.sem_alloc : memref<!tpu.dma_semaphore, #tpu.memory_space<semaphore_mem>>
      %dma_start3A = tpu.memref_slice %arg2[%mul3A_2] : memref<1048576xf32, #tpu.memory_space<hbm>> -> memref<32768xf32, #tpu.memory_space<hbm>>
      %dma_start3A_33 = tpu.memref_slice %arg2[%mul3A_2] : memref<1048576xf32, #tpu.memory_space<hbm>> -> memref<32768xf32, #tpu.memory_space<hbm>>
      tpu.enqueue_dma source(%dma_start3A_33 : memref<32768xf32, #tpu.memory_space<hbm>>) target(%arg4 : memref<32768xf32, #tpu.memory_space<vmem>>) target_semaphore(%run_scoped3A : memref<!tpu.dma_semaphore, #tpu.memory_space<semaphore_mem>>)
      %dma_wait3A = tpu.memref_slice %arg2[%mul3A_2] : memref<1048576xf32, #tpu.memory_space<hbm>> -> memref<32768xf32, #tpu.memory_space<hbm>>
      %dma_wait3A_34 = tpu.memref_slice %arg2[%mul3A_2] : memref<1048576xf32, #tpu.memory_space<hbm>> -> memref<32768xf32, #tpu.memory_space<hbm>>
      tpu.wait_dma2 semaphore(%run_scoped3A : memref<!tpu.dma_semaphore, #tpu.memory_space<semaphore_mem>>) src(%dma_wait3A_34 : memref<32768xf32, #tpu.memory_space<hbm>>) dst(%arg4 : memref<32768xf32, #tpu.memory_space<vmem>>)
      tpu.yield
    }) : () -> ()
    %broadcast_in_dim3A = arith.constant 0.000000e+00 : f32
    %broadcast_in_dim3A_3 = vector.broadcast %broadcast_in_dim3A : f32 to vector<16xf32>
    %scan3A = arith.constant 0 : i32
    %scan3A_4 = arith.constant 16 : i32
    %scan3A_5 = arith.addi %scan3A, %scan3A_4 : i32
    %scan3A_6 = arith.constant 1 : i32
    scf.for %scan3A_33 = %scan3A to %scan3A_5 step %scan3A_6  : i32 {
      %mul3A_34 = arith.constant 8 : i32
      %mul3A_35 = arith.muli %scan3A_33, %mul3A_34 : i32
      %add3A_36 = arith.constant 0 : i32
      %add3A_37 = arith.addi %mul3A_35, %add3A_36 : i32
      %mul3A_38 = arith.constant 16 : i32
      %mul3A_39 = arith.muli %add3A_37, %mul3A_38 : i32
      %swap3A = arith.index_cast %mul3A_39 : i32 to index
      %swap3A_40 = tpu.vector_load %arg5[%swap3A] {strides = array<i32>} : memref<2048xf32, #tpu.memory_space<vmem>>, vector<16xf32>,
      tpu.vector_store %arg5[%swap3A], %broadcast_in_dim3A_3 {strides = array<i32>} : memref<2048xf32, #tpu.memory_space<vmem>>, vector<16xf32>,
      %mul3A_41 = arith.constant 8 : i32
      %mul3A_42 = arith.muli %scan3A_33, %mul3A_41 : i32
      %add3A_43 = arith.constant 1 : i32
      %add3A_44 = arith.addi %mul3A_42, %add3A_43 : i32
      %mul3A_45 = arith.constant 16 : i32
      %mul3A_46 = arith.muli %add3A_44, %mul3A_45 : i32
      %swap3A_47 = arith.index_cast %mul3A_46 : i32 to index
      %swap3A_48 = tpu.vector_load %arg5[%swap3A_47] {strides = array<i32>} : memref<2048xf32, #tpu.memory_space<vmem>>, vector<16xf32>,
      tpu.vector_store %arg5[%swap3A_47], %broadcast_in_dim3A_3 {strides = array<i32>} : memref<2048xf32, #tpu.memory_space<vmem>>, vector<16xf32>,
      %mul3A_49 = arith.constant 8 : i32
      %mul3A_50 = arith.muli %scan3A_33, %mul3A_49 : i32
      %add3A_51 = arith.constant 2 : i32
      %add3A_52 = arith.addi %mul3A_50, %add3A_51 : i32
      %mul3A_53 = arith.constant 16 : i32
      %mul3A_54 = arith.muli %add3A_52, %mul3A_53 : i32
      %swap3A_55 = arith.index_cast %mul3A_54 : i32 to index
      %swap3A_56 = tpu.vector_load %arg5[%swap3A_55] {strides = array<i32>} : memref<2048xf32, #tpu.memory_space<vmem>>, vector<16xf32>,
      tpu.vector_store %arg5[%swap3A_55], %broadcast_in_dim3A_3 {strides = array<i32>} : memref<2048xf32, #tpu.memory_space<vmem>>, vector<16xf32>,
      %mul3A_57 = arith.constant 8 : i32
      %mul3A_58 = arith.muli %scan3A_33, %mul3A_57 : i32
      %add3A_59 = arith.constant 3 : i32
      %add3A_60 = arith.addi %mul3A_58, %add3A_59 : i32
      %mul3A_61 = arith.constant 16 : i32
      %mul3A_62 = arith.muli %add3A_60, %mul3A_61 : i32
      %swap3A_63 = arith.index_cast %mul3A_62 : i32 to index
      %swap3A_64 = tpu.vector_load %arg5[%swap3A_63] {strides = array<i32>} : memref<2048xf32, #tpu.memory_space<vmem>>, vector<16xf32>,
      tpu.vector_store %arg5[%swap3A_63], %broadcast_in_dim3A_3 {strides = array<i32>} : memref<2048xf32, #tpu.memory_space<vmem>>, vector<16xf32>,
      %mul3A_65 = arith.constant 8 : i32
      %mul3A_66 = arith.muli %scan3A_33, %mul3A_65 : i32
      %add3A_67 = arith.constant 4 : i32
      %add3A_68 = arith.addi %mul3A_66, %add3A_67 : i32
      %mul3A_69 = arith.constant 16 : i32
      %mul3A_70 = arith.muli %add3A_68, %mul3A_69 : i32
      %swap3A_71 = arith.index_cast %mul3A_70 : i32 to index
      %swap3A_72 = tpu.vector_load %arg5[%swap3A_71] {strides = array<i32>} : memref<2048xf32, #tpu.memory_space<vmem>>, vector<16xf32>,
      tpu.vector_store %arg5[%swap3A_71], %broadcast_in_dim3A_3 {strides = array<i32>} : memref<2048xf32, #tpu.memory_space<vmem>>, vector<16xf32>,
      %mul3A_73 = arith.constant 8 : i32
      %mul3A_74 = arith.muli %scan3A_33, %mul3A_73 : i32
      %add3A_75 = arith.constant 5 : i32
      %add3A_76 = arith.addi %mul3A_74, %add3A_75 : i32
      %mul3A_77 = arith.constant 16 : i32
      %mul3A_78 = arith.muli %add3A_76, %mul3A_77 : i32
      %swap3A_79 = arith.index_cast %mul3A_78 : i32 to index
      %swap3A_80 = tpu.vector_load %arg5[%swap3A_79] {strides = array<i32>} : memref<2048xf32, #tpu.memory_space<vmem>>, vector<16xf32>,
      tpu.vector_store %arg5[%swap3A_79], %broadcast_in_dim3A_3 {strides = array<i32>} : memref<2048xf32, #tpu.memory_space<vmem>>, vector<16xf32>,
      %mul3A_81 = arith.constant 8 : i32
      %mul3A_82 = arith.muli %scan3A_33, %mul3A_81 : i32
      %add3A_83 = arith.constant 6 : i32
      %add3A_84 = arith.addi %mul3A_82, %add3A_83 : i32
      %mul3A_85 = arith.constant 16 : i32
      %mul3A_86 = arith.muli %add3A_84, %mul3A_85 : i32
      %swap3A_87 = arith.index_cast %mul3A_86 : i32 to index
      %swap3A_88 = tpu.vector_load %arg5[%swap3A_87] {strides = array<i32>} : memref<2048xf32, #tpu.memory_space<vmem>>, vector<16xf32>,
      tpu.vector_store %arg5[%swap3A_87], %broadcast_in_dim3A_3 {strides = array<i32>} : memref<2048xf32, #tpu.memory_space<vmem>>, vector<16xf32>,
      %mul3A_89 = arith.constant 8 : i32
      %mul3A_90 = arith.muli %scan3A_33, %mul3A_89 : i32
      %add3A_91 = arith.constant 7 : i32
      %add3A_92 = arith.addi %mul3A_90, %add3A_91 : i32
      %mul3A_93 = arith.constant 16 : i32
      %mul3A_94 = arith.muli %add3A_92, %mul3A_93 : i32
      %swap3A_95 = arith.index_cast %mul3A_94 : i32 to index
      %swap3A_96 = tpu.vector_load %arg5[%swap3A_95] {strides = array<i32>} : memref<2048xf32, #tpu.memory_space<vmem>>, vector<16xf32>,
      tpu.vector_store %arg5[%swap3A_95], %broadcast_in_dim3A_3 {strides = array<i32>} : memref<2048xf32, #tpu.memory_space<vmem>>, vector<16xf32>,
    }
    %scan3A_7 = arith.constant 16 : i32
    %broadcast_in_dim3A_8 = arith.constant 1.000000e+00 : f32
    %broadcast_in_dim3A_9 = vector.broadcast %broadcast_in_dim3A_8 : f32 to vector<16xf32>
    %iota3A = tpu.iota {dimensions = array<i32: 0>} : vector<16xi32>
    %jit3A = arith.constant 1 : i32
    %eq3A = arith.constant 0 : i32
    %eq3A_10 = arith.cmpi eq, %jit3A, %eq3A : i32
    %jit3A_11 = arith.constant 1 : i32
    %select_n3A = arith.select %eq3A_10, %jit3A_11, %jit3A : i32
    %rem3A = vector.broadcast %select_n3A : i32 to vector<16xi32>
    %rem3A_12 = arith.remsi %iota3A, %rem3A : vector<16xi32>
    %ne3A = arith.constant 0 : i32
    %ne3A_13 = vector.broadcast %ne3A : i32 to vector<16xi32>
    %ne3A_14 = arith.cmpi ne, %rem3A_12, %ne3A_13 : vector<16xi32>
    %lt3A = arith.constant 0 : i32
    %lt3A_15 = vector.broadcast %lt3A : i32 to vector<16xi32>
    %lt3A_16 = arith.cmpi slt, %rem3A_12, %lt3A_15 : vector<16xi32>
    %lt3A_17 = arith.constant 0 : i32
    %lt3A_18 = arith.cmpi slt, %select_n3A, %lt3A_17 : i32
    %ne3A_19 = vector.broadcast %lt3A_18 : i1 to vector<16xi1>
    %ne3A_20 = vector.broadcast %ne3A_19 : vector<16xi1> to vector<16xi1>
    %ne3A_21 = arith.xori %lt3A_16, %ne3A_20 : vector<16xi1>
    %and3A = arith.andi %ne3A_21, %ne3A_14 : vector<16xi1>
    %add3A_22 = vector.broadcast %select_n3A : i32 to vector<16xi32>
    %add3A_23 = arith.addi %rem3A_12, %add3A_22 : vector<16xi32>
    %select_n3A_24 = arith.select %and3A, %add3A_23, %rem3A_12 : vector<16xi1>, vector<16xi32>
    %mul3A_25 = arith.constant 2048 : i32
    %mul3A_26 = vector.broadcast %mul3A_25 : i32 to vector<16xi32>
    %mul3A_27 = arith.muli %select_n3A_24, %mul3A_26 : vector<16xi32>
    %scan3A_28 = arith.constant 0 : i32
    %scan3A_29 = arith.constant 128 : i32
    %scan3A_30 = arith.addi %scan3A_28, %scan3A_29 : i32
    %scan3A_31 = arith.constant 1 : i32
    scf.for %scan3A_33 = %scan3A_28 to %scan3A_30 step %scan3A_31  : i32 {
      %mul3A_34 = arith.constant 16 : i32
      %mul3A_35 = arith.muli %scan3A_33, %mul3A_34 : i32
      %add3A_36 = arith.constant 0 : i32
      %add3A_37 = arith.addi %mul3A_35, %add3A_36 : i32
      %mul3A_38 = arith.constant 16 : i32
      %mul3A_39 = arith.muli %add3A_37, %mul3A_38 : i32
      %get3A = arith.index_cast %mul3A_39 : i32 to index
      %get3A_40 = tpu.vector_load %arg4[%get3A] {strides = array<i32>} : memref<32768xf32, #tpu.memory_space<vmem>>, vector<16xf32>,
      %bitcast_convert_type3A = tpu.bitcast %get3A_40 : vector<16xf32> -> vector<16xi32>
      %shift_right_logical3A = arith.constant 21 : i32
      %shift_right_logical3A_41 = vector.broadcast %shift_right_logical3A : i32 to vector<16xi32>
      %shift_right_logical3A_42 = arith.shrui %bitcast_convert_type3A, %shift_right_logical3A_41 : vector<16xi32>
      %add3A_43 = arith.addi %mul3A_27, %shift_right_logical3A_42 : vector<16xi32>
      tpu.vector_store_idx %arg5[%add3A_43], %broadcast_in_dim3A_9 {add = true} : memref<2048xf32, #tpu.memory_space<vmem>>[vector<16xi32>], vector<16xf32>,
      %mul3A_44 = arith.constant 16 : i32
      %mul3A_45 = arith.muli %scan3A_33, %mul3A_44 : i32
      %add3A_46 = arith.constant 1 : i32
      %add3A_47 = arith.addi %mul3A_45, %add3A_46 : i32
      %mul3A_48 = arith.constant 16 : i32
      %mul3A_49 = arith.muli %add3A_47, %mul3A_48 : i32
      %get3A_50 = arith.index_cast %mul3A_49 : i32 to index
      %get3A_51 = tpu.vector_load %arg4[%get3A_50] {strides = array<i32>} : memref<32768xf32, #tpu.memory_space<vmem>>, vector<16xf32>,
      %bitcast_convert_type3A_52 = tpu.bitcast %get3A_51 : vector<16xf32> -> vector<16xi32>
      %shift_right_logical3A_53 = arith.constant 21 : i32
      %shift_right_logical3A_54 = vector.broadcast %shift_right_logical3A_53 : i32 to vector<16xi32>
      %shift_right_logical3A_55 = arith.shrui %bitcast_convert_type3A_52, %shift_right_logical3A_54 : vector<16xi32>
      %add3A_56 = arith.addi %mul3A_27, %shift_right_logical3A_55 : vector<16xi32>
      tpu.vector_store_idx %arg5[%add3A_56], %broadcast_in_dim3A_9 {add = true} : memref<2048xf32, #tpu.memory_space<vmem>>[vector<16xi32>], vector<16xf32>,
      %mul3A_57 = arith.constant 16 : i32
      %mul3A_58 = arith.muli %scan3A_33, %mul3A_57 : i32
      %add3A_59 = arith.constant 2 : i32
      %add3A_60 = arith.addi %mul3A_58, %add3A_59 : i32
      %mul3A_61 = arith.constant 16 : i32
      %mul3A_62 = arith.muli %add3A_60, %mul3A_61 : i32
      %get3A_63 = arith.index_cast %mul3A_62 : i32 to index
      %get3A_64 = tpu.vector_load %arg4[%get3A_63] {strides = array<i32>} : memref<32768xf32, #tpu.memory_space<vmem>>, vector<16xf32>,
      %bitcast_convert_type3A_65 = tpu.bitcast %get3A_64 : vector<16xf32> -> vector<16xi32>
      %shift_right_logical3A_66 = arith.constant 21 : i32
      %shift_right_logical3A_67 = vector.broadcast %shift_right_logical3A_66 : i32 to vector<16xi32>
      %shift_right_logical3A_68 = arith.shrui %bitcast_convert_type3A_65, %shift_right_logical3A_67 : vector<16xi32>
      %add3A_69 = arith.addi %mul3A_27, %shift_right_logical3A_68 : vector<16xi32>
      tpu.vector_store_idx %arg5[%add3A_69], %broadcast_in_dim3A_9 {add = true} : memref<2048xf32, #tpu.memory_space<vmem>>[vector<16xi32>], vector<16xf32>,
      %mul3A_70 = arith.constant 16 : i32
      %mul3A_71 = arith.muli %scan3A_33, %mul3A_70 : i32
      %add3A_72 = arith.constant 3 : i32
      %add3A_73 = arith.addi %mul3A_71, %add3A_72 : i32
      %mul3A_74 = arith.constant 16 : i32
      %mul3A_75 = arith.muli %add3A_73, %mul3A_74 : i32
      %get3A_76 = arith.index_cast %mul3A_75 : i32 to index
      %get3A_77 = tpu.vector_load %arg4[%get3A_76] {strides = array<i32>} : memref<32768xf32, #tpu.memory_space<vmem>>, vector<16xf32>,
      %bitcast_convert_type3A_78 = tpu.bitcast %get3A_77 : vector<16xf32> -> vector<16xi32>
      %shift_right_logical3A_79 = arith.constant 21 : i32
      %shift_right_logical3A_80 = vector.broadcast %shift_right_logical3A_79 : i32 to vector<16xi32>
      %shift_right_logical3A_81 = arith.shrui %bitcast_convert_type3A_78, %shift_right_logical3A_80 : vector<16xi32>
      %add3A_82 = arith.addi %mul3A_27, %shift_right_logical3A_81 : vector<16xi32>
      tpu.vector_store_idx %arg5[%add3A_82], %broadcast_in_dim3A_9 {add = true} : memref<2048xf32, #tpu.memory_space<vmem>>[vector<16xi32>], vector<16xf32>,
      %mul3A_83 = arith.constant 16 : i32
      %mul3A_84 = arith.muli %scan3A_33, %mul3A_83 : i32
      %add3A_85 = arith.constant 4 : i32
      %add3A_86 = arith.addi %mul3A_84, %add3A_85 : i32
      %mul3A_87 = arith.constant 16 : i32
      %mul3A_88 = arith.muli %add3A_86, %mul3A_87 : i32
      %get3A_89 = arith.index_cast %mul3A_88 : i32 to index
      %get3A_90 = tpu.vector_load %arg4[%get3A_89] {strides = array<i32>} : memref<32768xf32, #tpu.memory_space<vmem>>, vector<16xf32>,
      %bitcast_convert_type3A_91 = tpu.bitcast %get3A_90 : vector<16xf32> -> vector<16xi32>
      %shift_right_logical3A_92 = arith.constant 21 : i32
      %shift_right_logical3A_93 = vector.broadcast %shift_right_logical3A_92 : i32 to vector<16xi32>
      %shift_right_logical3A_94 = arith.shrui %bitcast_convert_type3A_91, %shift_right_logical3A_93 : vector<16xi32>
      %add3A_95 = arith.addi %mul3A_27, %shift_right_logical3A_94 : vector<16xi32>
      tpu.vector_store_idx %arg5[%add3A_95], %broadcast_in_dim3A_9 {add = true} : memref<2048xf32, #tpu.memory_space<vmem>>[vector<16xi32>], vector<16xf32>,
      %mul3A_96 = arith.constant 16 : i32
      %mul3A_97 = arith.muli %scan3A_33, %mul3A_96 : i32
      %add3A_98 = arith.constant 5 : i32
      %add3A_99 = arith.addi %mul3A_97, %add3A_98 : i32
      %mul3A_100 = arith.constant 16 : i32
      %mul3A_101 = arith.muli %add3A_99, %mul3A_100 : i32
      %get3A_102 = arith.index_cast %mul3A_101 : i32 to index
      %get3A_103 = tpu.vector_load %arg4[%get3A_102] {strides = array<i32>} : memref<32768xf32, #tpu.memory_space<vmem>>, vector<16xf32>,
      %bitcast_convert_type3A_104 = tpu.bitcast %get3A_103 : vector<16xf32> -> vector<16xi32>
      %shift_right_logical3A_105 = arith.constant 21 : i32
      %shift_right_logical3A_106 = vector.broadcast %shift_right_logical3A_105 : i32 to vector<16xi32>
      %shift_right_logical3A_107 = arith.shrui %bitcast_convert_type3A_104, %shift_right_logical3A_106 : vector<16xi32>
      %add3A_108 = arith.addi %mul3A_27, %shift_right_logical3A_107 : vector<16xi32>
      tpu.vector_store_idx %arg5[%add3A_108], %broadcast_in_dim3A_9 {add = true} : memref<2048xf32, #tpu.memory_space<vmem>>[vector<16xi32>], vector<16xf32>,
      %mul3A_109 = arith.constant 16 : i32
      %mul3A_110 = arith.muli %scan3A_33, %mul3A_109 : i32
      %add3A_111 = arith.constant 6 : i32
      %add3A_112 = arith.addi %mul3A_110, %add3A_111 : i32
      %mul3A_113 = arith.constant 16 : i32
      %mul3A_114 = arith.muli %add3A_112, %mul3A_113 : i32
      %get3A_115 = arith.index_cast %mul3A_114 : i32 to index
      %get3A_116 = tpu.vector_load %arg4[%get3A_115] {strides = array<i32>} : memref<32768xf32, #tpu.memory_space<vmem>>, vector<16xf32>,
      %bitcast_convert_type3A_117 = tpu.bitcast %get3A_116 : vector<16xf32> -> vector<16xi32>
      %shift_right_logical3A_118 = arith.constant 21 : i32
      %shift_right_logical3A_119 = vector.broadcast %shift_right_logical3A_118 : i32 to vector<16xi32>
      %shift_right_logical3A_120 = arith.shrui %bitcast_convert_type3A_117, %shift_right_logical3A_119 : vector<16xi32>
      %add3A_121 = arith.addi %mul3A_27, %shift_right_logical3A_120 : vector<16xi32>
      tpu.vector_store_idx %arg5[%add3A_121], %broadcast_in_dim3A_9 {add = true} : memref<2048xf32, #tpu.memory_space<vmem>>[vector<16xi32>], vector<16xf32>,
      %mul3A_122 = arith.constant 16 : i32
      %mul3A_123 = arith.muli %scan3A_33, %mul3A_122 : i32
      %add3A_124 = arith.constant 7 : i32
      %add3A_125 = arith.addi %mul3A_123, %add3A_124 : i32
      %mul3A_126 = arith.constant 16 : i32
      %mul3A_127 = arith.muli %add3A_125, %mul3A_126 : i32
      %get3A_128 = arith.index_cast %mul3A_127 : i32 to index
      %get3A_129 = tpu.vector_load %arg4[%get3A_128] {strides = array<i32>} : memref<32768xf32, #tpu.memory_space<vmem>>, vector<16xf32>,
      %bitcast_convert_type3A_130 = tpu.bitcast %get3A_129 : vector<16xf32> -> vector<16xi32>
      %shift_right_logical3A_131 = arith.constant 21 : i32
      %shift_right_logical3A_132 = vector.broadcast %shift_right_logical3A_131 : i32 to vector<16xi32>
      %shift_right_logical3A_133 = arith.shrui %bitcast_convert_type3A_130, %shift_right_logical3A_132 : vector<16xi32>
      %add3A_134 = arith.addi %mul3A_27, %shift_right_logical3A_133 : vector<16xi32>
      tpu.vector_store_idx %arg5[%add3A_134], %broadcast_in_dim3A_9 {add = true} : memref<2048xf32, #tpu.memory_space<vmem>>[vector<16xi32>], vector<16xf32>,
      %mul3A_135 = arith.constant 16 : i32
      %mul3A_136 = arith.muli %scan3A_33, %mul3A_135 : i32
      %add3A_137 = arith.constant 8 : i32
      %add3A_138 = arith.addi %mul3A_136, %add3A_137 : i32
      %mul3A_139 = arith.constant 16 : i32
      %mul3A_140 = arith.muli %add3A_138, %mul3A_139 : i32
      %get3A_141 = arith.index_cast %mul3A_140 : i32 to index
      %get3A_142 = tpu.vector_load %arg4[%get3A_141] {strides = array<i32>} : memref<32768xf32, #tpu.memory_space<vmem>>, vector<16xf32>,
      %bitcast_convert_type3A_143 = tpu.bitcast %get3A_142 : vector<16xf32> -> vector<16xi32>
      %shift_right_logical3A_144 = arith.constant 21 : i32
      %shift_right_logical3A_145 = vector.broadcast %shift_right_logical3A_144 : i32 to vector<16xi32>
      %shift_right_logical3A_146 = arith.shrui %bitcast_convert_type3A_143, %shift_right_logical3A_145 : vector<16xi32>
      %add3A_147 = arith.addi %mul3A_27, %shift_right_logical3A_146 : vector<16xi32>
      tpu.vector_store_idx %arg5[%add3A_147], %broadcast_in_dim3A_9 {add = true} : memref<2048xf32, #tpu.memory_space<vmem>>[vector<16xi32>], vector<16xf32>,
      %mul3A_148 = arith.constant 16 : i32
      %mul3A_149 = arith.muli %scan3A_33, %mul3A_148 : i32
      %add3A_150 = arith.constant 9 : i32
      %add3A_151 = arith.addi %mul3A_149, %add3A_150 : i32
      %mul3A_152 = arith.constant 16 : i32
      %mul3A_153 = arith.muli %add3A_151, %mul3A_152 : i32
      %get3A_154 = arith.index_cast %mul3A_153 : i32 to index
      %get3A_155 = tpu.vector_load %arg4[%get3A_154] {strides = array<i32>} : memref<32768xf32, #tpu.memory_space<vmem>>, vector<16xf32>,
      %bitcast_convert_type3A_156 = tpu.bitcast %get3A_155 : vector<16xf32> -> vector<16xi32>
      %shift_right_logical3A_157 = arith.constant 21 : i32
      %shift_right_logical3A_158 = vector.broadcast %shift_right_logical3A_157 : i32 to vector<16xi32>
      %shift_right_logical3A_159 = arith.shrui %bitcast_convert_type3A_156, %shift_right_logical3A_158 : vector<16xi32>
      %add3A_160 = arith.addi %mul3A_27, %shift_right_logical3A_159 : vector<16xi32>
      tpu.vector_store_idx %arg5[%add3A_160], %broadcast_in_dim3A_9 {add = true} : memref<2048xf32, #tpu.memory_space<vmem>>[vector<16xi32>], vector<16xf32>,
      %mul3A_161 = arith.constant 16 : i32
      %mul3A_162 = arith.muli %scan3A_33, %mul3A_161 : i32
      %add3A_163 = arith.constant 10 : i32
      %add3A_164 = arith.addi %mul3A_162, %add3A_163 : i32
      %mul3A_165 = arith.constant 16 : i32
      %mul3A_166 = arith.muli %add3A_164, %mul3A_165 : i32
      %get3A_167 = arith.index_cast %mul3A_166 : i32 to index
      %get3A_168 = tpu.vector_load %arg4[%get3A_167] {strides = array<i32>} : memref<32768xf32, #tpu.memory_space<vmem>>, vector<16xf32>,
      %bitcast_convert_type3A_169 = tpu.bitcast %get3A_168 : vector<16xf32> -> vector<16xi32>
      %shift_right_logical3A_170 = arith.constant 21 : i32
      %shift_right_logical3A_171 = vector.broadcast %shift_right_logical3A_170 : i32 to vector<16xi32>
      %shift_right_logical3A_172 = arith.shrui %bitcast_convert_type3A_169, %shift_right_logical3A_171 : vector<16xi32>
      %add3A_173 = arith.addi %mul3A_27, %shift_right_logical3A_172 : vector<16xi32>
      tpu.vector_store_idx %arg5[%add3A_173], %broadcast_in_dim3A_9 {add = true} : memref<2048xf32, #tpu.memory_space<vmem>>[vector<16xi32>], vector<16xf32>,
      %mul3A_174 = arith.constant 16 : i32
      %mul3A_175 = arith.muli %scan3A_33, %mul3A_174 : i32
      %add3A_176 = arith.constant 11 : i32
      %add3A_177 = arith.addi %mul3A_175, %add3A_176 : i32
      %mul3A_178 = arith.constant 16 : i32
      %mul3A_179 = arith.muli %add3A_177, %mul3A_178 : i32
      %get3A_180 = arith.index_cast %mul3A_179 : i32 to index
      %get3A_181 = tpu.vector_load %arg4[%get3A_180] {strides = array<i32>} : memref<32768xf32, #tpu.memory_space<vmem>>, vector<16xf32>,
      %bitcast_convert_type3A_182 = tpu.bitcast %get3A_181 : vector<16xf32> -> vector<16xi32>
      %shift_right_logical3A_183 = arith.constant 21 : i32
      %shift_right_logical3A_184 = vector.broadcast %shift_right_logical3A_183 : i32 to vector<16xi32>
      %shift_right_logical3A_185 = arith.shrui %bitcast_convert_type3A_182, %shift_right_logical3A_184 : vector<16xi32>
      %add3A_186 = arith.addi %mul3A_27, %shift_right_logical3A_185 : vector<16xi32>
      tpu.vector_store_idx %arg5[%add3A_186], %broadcast_in_dim3A_9 {add = true} : memref<2048xf32, #tpu.memory_space<vmem>>[vector<16xi32>], vector<16xf32>,
      %mul3A_187 = arith.constant 16 : i32
      %mul3A_188 = arith.muli %scan3A_33, %mul3A_187 : i32
      %add3A_189 = arith.constant 12 : i32
      %add3A_190 = arith.addi %mul3A_188, %add3A_189 : i32
      %mul3A_191 = arith.constant 16 : i32
      %mul3A_192 = arith.muli %add3A_190, %mul3A_191 : i32
      %get3A_193 = arith.index_cast %mul3A_192 : i32 to index
      %get3A_194 = tpu.vector_load %arg4[%get3A_193] {strides = array<i32>} : memref<32768xf32, #tpu.memory_space<vmem>>, vector<16xf32>,
      %bitcast_convert_type3A_195 = tpu.bitcast %get3A_194 : vector<16xf32> -> vector<16xi32>
      %shift_right_logical3A_196 = arith.constant 21 : i32
      %shift_right_logical3A_197 = vector.broadcast %shift_right_logical3A_196 : i32 to vector<16xi32>
      %shift_right_logical3A_198 = arith.shrui %bitcast_convert_type3A_195, %shift_right_logical3A_197 : vector<16xi32>
      %add3A_199 = arith.addi %mul3A_27, %shift_right_logical3A_198 : vector<16xi32>
      tpu.vector_store_idx %arg5[%add3A_199], %broadcast_in_dim3A_9 {add = true} : memref<2048xf32, #tpu.memory_space<vmem>>[vector<16xi32>], vector<16xf32>,
      %mul3A_200 = arith.constant 16 : i32
      %mul3A_201 = arith.muli %scan3A_33, %mul3A_200 : i32
      %add3A_202 = arith.constant 13 : i32
      %add3A_203 = arith.addi %mul3A_201, %add3A_202 : i32
      %mul3A_204 = arith.constant 16 : i32
      %mul3A_205 = arith.muli %add3A_203, %mul3A_204 : i32
      %get3A_206 = arith.index_cast %mul3A_205 : i32 to index
      %get3A_207 = tpu.vector_load %arg4[%get3A_206] {strides = array<i32>} : memref<32768xf32, #tpu.memory_space<vmem>>, vector<16xf32>,
      %bitcast_convert_type3A_208 = tpu.bitcast %get3A_207 : vector<16xf32> -> vector<16xi32>
      %shift_right_logical3A_209 = arith.constant 21 : i32
      %shift_right_logical3A_210 = vector.broadcast %shift_right_logical3A_209 : i32 to vector<16xi32>
      %shift_right_logical3A_211 = arith.shrui %bitcast_convert_type3A_208, %shift_right_logical3A_210 : vector<16xi32>
      %add3A_212 = arith.addi %mul3A_27, %shift_right_logical3A_211 : vector<16xi32>
      tpu.vector_store_idx %arg5[%add3A_212], %broadcast_in_dim3A_9 {add = true} : memref<2048xf32, #tpu.memory_space<vmem>>[vector<16xi32>], vector<16xf32>,
      %mul3A_213 = arith.constant 16 : i32
      %mul3A_214 = arith.muli %scan3A_33, %mul3A_213 : i32
      %add3A_215 = arith.constant 14 : i32
      %add3A_216 = arith.addi %mul3A_214, %add3A_215 : i32
      %mul3A_217 = arith.constant 16 : i32
      %mul3A_218 = arith.muli %add3A_216, %mul3A_217 : i32
      %get3A_219 = arith.index_cast %mul3A_218 : i32 to index
      %get3A_220 = tpu.vector_load %arg4[%get3A_219] {strides = array<i32>} : memref<32768xf32, #tpu.memory_space<vmem>>, vector<16xf32>,
      %bitcast_convert_type3A_221 = tpu.bitcast %get3A_220 : vector<16xf32> -> vector<16xi32>
      %shift_right_logical3A_222 = arith.constant 21 : i32
      %shift_right_logical3A_223 = vector.broadcast %shift_right_logical3A_222 : i32 to vector<16xi32>
      %shift_right_logical3A_224 = arith.shrui %bitcast_convert_type3A_221, %shift_right_logical3A_223 : vector<16xi32>
      %add3A_225 = arith.addi %mul3A_27, %shift_right_logical3A_224 : vector<16xi32>
      tpu.vector_store_idx %arg5[%add3A_225], %broadcast_in_dim3A_9 {add = true} : memref<2048xf32, #tpu.memory_space<vmem>>[vector<16xi32>], vector<16xf32>,
      %mul3A_226 = arith.constant 16 : i32
      %mul3A_227 = arith.muli %scan3A_33, %mul3A_226 : i32
      %add3A_228 = arith.constant 15 : i32
      %add3A_229 = arith.addi %mul3A_227, %add3A_228 : i32
      %mul3A_230 = arith.constant 16 : i32
      %mul3A_231 = arith.muli %add3A_229, %mul3A_230 : i32
      %get3A_232 = arith.index_cast %mul3A_231 : i32 to index
      %get3A_233 = tpu.vector_load %arg4[%get3A_232] {strides = array<i32>} : memref<32768xf32, #tpu.memory_space<vmem>>, vector<16xf32>,
      %bitcast_convert_type3A_234 = tpu.bitcast %get3A_233 : vector<16xf32> -> vector<16xi32>
      %shift_right_logical3A_235 = arith.constant 21 : i32
      %shift_right_logical3A_236 = vector.broadcast %shift_right_logical3A_235 : i32 to vector<16xi32>
      %shift_right_logical3A_237 = arith.shrui %bitcast_convert_type3A_234, %shift_right_logical3A_236 : vector<16xi32>
      %add3A_238 = arith.addi %mul3A_27, %shift_right_logical3A_237 : vector<16xi32>
      tpu.vector_store_idx %arg5[%add3A_238], %broadcast_in_dim3A_9 {add = true} : memref<2048xf32, #tpu.memory_space<vmem>>[vector<16xi32>], vector<16xf32>,
    }
    %scan3A_32 = arith.constant 128 : i32
    "tpu.region"() ({
      %run_scoped3A = tpu.sem_alloc : memref<!tpu.dma_semaphore, #tpu.memory_space<semaphore_mem>>
      %dma_start3A = arith.constant 0 : i32
      %dma_start3A_33 = tpu.memref_slice %arg3[%add3A, %dma_start3A] : memref<32x2048xf32, #tpu.memory_space<hbm>> -> memref<1x2048xf32, #tpu.memory_space<hbm>>
      %dma_start3A_34 = tpu.memref_squeeze %dma_start3A_33 : memref<1x2048xf32, #tpu.memory_space<hbm>> -> memref<2048xf32, #tpu.memory_space<hbm>>
      %dma_start3A_35 = arith.constant 0 : i32
      %dma_start3A_36 = tpu.memref_slice %arg3[%add3A, %dma_start3A_35] : memref<32x2048xf32, #tpu.memory_space<hbm>> -> memref<1x2048xf32, #tpu.memory_space<hbm>>
      %dma_start3A_37 = tpu.memref_squeeze %dma_start3A_36 : memref<1x2048xf32, #tpu.memory_space<hbm>> -> memref<2048xf32, #tpu.memory_space<hbm>>
      tpu.enqueue_dma source(%arg5 : memref<2048xf32, #tpu.memory_space<vmem>>) target(%dma_start3A_37 : memref<2048xf32, #tpu.memory_space<hbm>>) target_semaphore(%run_scoped3A : memref<!tpu.dma_semaphore, #tpu.memory_space<semaphore_mem>>)
      %dma_wait3A = arith.constant 0 : i32
      %dma_wait3A_38 = tpu.memref_slice %arg3[%add3A, %dma_wait3A] : memref<32x2048xf32, #tpu.memory_space<hbm>> -> memref<1x2048xf32, #tpu.memory_space<hbm>>
      %dma_wait3A_39 = tpu.memref_squeeze %dma_wait3A_38 : memref<1x2048xf32, #tpu.memory_space<hbm>> -> memref<2048xf32, #tpu.memory_space<hbm>>
      %dma_wait3A_40 = arith.constant 0 : i32
      %dma_wait3A_41 = tpu.memref_slice %arg3[%add3A, %dma_wait3A_40] : memref<32x2048xf32, #tpu.memory_space<hbm>> -> memref<1x2048xf32, #tpu.memory_space<hbm>>
      %dma_wait3A_42 = tpu.memref_squeeze %dma_wait3A_41 : memref<1x2048xf32, #tpu.memory_space<hbm>> -> memref<2048xf32, #tpu.memory_space<hbm>>
      tpu.wait_dma2 semaphore(%run_scoped3A : memref<!tpu.dma_semaphore, #tpu.memory_space<semaphore_mem>>) src(%arg5 : memref<2048xf32, #tpu.memory_space<vmem>>) dst(%dma_wait3A_42 : memref<2048xf32, #tpu.memory_space<hbm>>)
      tpu.yield
    }) : () -> ()
    return
  }
}

module attributes {stable_mosaic.version = 14 : i64} {
  func.func @_ce_body(%arg0: i32, %arg1: memref<19x256x512xf32, #tpu.memory_space<vmem>>, %arg2: memref<256x512xi32, #tpu.memory_space<vmem>>, %arg3: memref<256x512xf32, #tpu.memory_space<vmem>>, %arg4: memref<3x1xf32, #tpu.memory_space<smem>>) attributes {dimension_semantics = [#tpu.dimension_semantics<arbitrary>], iteration_bounds = array<i64: 8>, scalar_prefetch = 0 : i64, scratch_operands = 0 : i64, tpu.core_type = #tpu.core_type<tc>, window_params = [{transform_indices = @transform_0, window_bounds = array<i64: 19, 256, 512>}, {transform_indices = @transform_1, window_bounds = array<i64: 256, 512>}, {transform_indices = @transform_2, window_bounds = array<i64: 256, 512>}, {transform_indices = @transform_3, window_bounds = array<i64: 3, 1>}]} {
    %get3A = arith.constant 0 : index
    %get3A_0 = arith.constant 0 : index
    %get3A_1 = arith.constant 0 : index
    %get3A_2 = vector.load %arg1[%get3A, %get3A_0, %get3A_1] : memref<19x256x512xf32, #tpu.memory_space<vmem>>, vector<19x256x512xf32>
    %get3A_3 = arith.constant 0 : index
    %get3A_4 = arith.constant 0 : index
    %get3A_5 = vector.load %arg2[%get3A_3, %get3A_4] : memref<256x512xi32, #tpu.memory_space<vmem>>, vector<256x512xi32>
    %exp3A = math.exp %get3A_2 : vector<19x256x512xf32>
    %reduce_sum3A = arith.constant dense<0.000000e+00> : vector<256x512xf32>
    %reduce_sum3A_6 = vector.multi_reduction <add>, %exp3A, %reduce_sum3A [0] : vector<19x256x512xf32> to vector<256x512xf32>
    %iota3A = tpu.iota {dimensions = array<i32: 0>} : vector<19x256x512xi32>
    %broadcast_in_dim3A = vector.shape_cast %get3A_5 : vector<256x512xi32> to vector<1x256x512xi32>
    %eq3A = vector.broadcast %broadcast_in_dim3A : vector<1x256x512xi32> to vector<19x256x512xi32>
    %eq3A_7 = arith.cmpi eq, %iota3A, %eq3A : vector<19x256x512xi32>
    %jit3A = arith.constant 0.000000e+00 : f32
    %broadcast_in_dim3A_8 = vector.broadcast %jit3A : f32 to vector<19x256x512xf32>
    %select_n3A = arith.select %eq3A_7, %get3A_2, %broadcast_in_dim3A_8 : vector<19x256x512xi1>, vector<19x256x512xf32>
    %reduce_sum3A_9 = arith.constant dense<0.000000e+00> : vector<256x512xf32>
    %reduce_sum3A_10 = vector.multi_reduction <add>, %select_n3A, %reduce_sum3A_9 [0] : vector<19x256x512xf32> to vector<256x512xf32>
    %log3A = math.log %reduce_sum3A_6 : vector<256x512xf32>
    %sub3A = arith.subf %log3A, %reduce_sum3A_10 : vector<256x512xf32>
    %max3A = arith.constant 0.000000e+00 : f32
    %max3A_11 = vector.broadcast %max3A : f32 to vector<256x512xf32>
    %max3A_12 = arith.maximumf %sub3A, %max3A_11 : vector<256x512xf32>
    %swap3A = arith.constant 0 : index
    %swap3A_13 = arith.constant 0 : index
    %swap3A_14 = vector.load %arg3[%swap3A, %swap3A_13] : memref<256x512xf32, #tpu.memory_space<vmem>>, vector<256x512xf32>
    tpu.vector_store %arg3[%swap3A, %swap3A_13], %max3A_12 {strides = array<i32>} : memref<256x512xf32, #tpu.memory_space<vmem>>, vector<256x512xf32>,
    %neg3A = arith.constant 0.000000e+00 : f32
    %neg3A_15 = vector.broadcast %neg3A : f32 to vector<256x512xf32>
    %neg3A_16 = arith.subf %neg3A_15, %max3A_12 : vector<256x512xf32>
    %exp3A_17 = math.exp %neg3A_16 : vector<256x512xf32>
    %sub3A_18 = arith.constant 1.000000e+00 : f32
    %sub3A_19 = vector.broadcast %sub3A_18 : f32 to vector<256x512xf32>
    %sub3A_20 = arith.subf %sub3A_19, %exp3A_17 : vector<256x512xf32>
    %integer_pow3A = arith.mulf %sub3A_20, %sub3A_20 : vector<256x512xf32>
    %mul3A = arith.mulf %integer_pow3A, %max3A_12 : vector<256x512xf32>
    %log3A_21 = arith.constant 0.699999988 : f32
    %log3A_22 = math.log %log3A_21 : f32
    %neg3A_23 = arith.constant 0.000000e+00 : f32
    %neg3A_24 = arith.subf %neg3A_23, %log3A_22 : f32
    %gt3A = vector.broadcast %neg3A_24 : f32 to vector<256x512xf32>
    %gt3A_25 = arith.cmpf ogt, %max3A_12, %gt3A : vector<256x512xf32>
    %eq3A_26 = arith.constant 0 : i32
    %eq3A_27 = arith.cmpi eq, %arg0, %eq3A_26 : i32
    %convert_element_type3A = arith.extui %eq3A_27 : i1 to i32
    %cond3A = arith.constant 0 : i32
    %cond3A_28 = arith.cmpi ne, %convert_element_type3A, %cond3A : i32
    scf.if %cond3A_28 {
      %swap3A_69 = arith.constant 0.000000e+00 : f32
      %swap3A_70 = arith.constant 0 : index
      %swap3A_71 = arith.constant 0 : index
      %swap3A_72 = memref.load %arg4[%swap3A_70, %swap3A_71] : memref<3x1xf32, #tpu.memory_space<smem>>
      memref.store %swap3A_69, %arg4[%swap3A_70, %swap3A_71] : memref<3x1xf32, #tpu.memory_space<smem>>
      %swap3A_73 = arith.constant 0.000000e+00 : f32
      %swap3A_74 = arith.constant 1 : index
      %swap3A_75 = arith.constant 0 : index
      %swap3A_76 = memref.load %arg4[%swap3A_74, %swap3A_75] : memref<3x1xf32, #tpu.memory_space<smem>>
      memref.store %swap3A_73, %arg4[%swap3A_74, %swap3A_75] : memref<3x1xf32, #tpu.memory_space<smem>>
      %swap3A_77 = arith.constant 0.000000e+00 : f32
      %swap3A_78 = arith.constant 2 : index
      %swap3A_79 = arith.constant 0 : index
      %swap3A_80 = memref.load %arg4[%swap3A_78, %swap3A_79] : memref<3x1xf32, #tpu.memory_space<smem>>
      memref.store %swap3A_77, %arg4[%swap3A_78, %swap3A_79] : memref<3x1xf32, #tpu.memory_space<smem>>
    } else {
    }
    %get3A_29 = arith.constant 0 : index
    %get3A_30 = arith.constant 0 : index
    %get3A_31 = memref.load %arg4[%get3A_29, %get3A_30] : memref<3x1xf32, #tpu.memory_space<smem>>
    %reduce_sum3A_32 = vector.shape_cast %mul3A : vector<256x512xf32> to vector<1x256x512xf32>
    %reduce_sum3A_33 = arith.constant dense<0.000000e+00> : vector<1xf32>
    %reduce_sum3A_34 = vector.multi_reduction <add>, %reduce_sum3A_32, %reduce_sum3A_33 [1, 2] : vector<1x256x512xf32> to vector<1xf32>
    %reduce_sum3A_35 = vector.shape_cast %reduce_sum3A_34 : vector<1xf32> to vector<1x1x1xf32>
    %reduce_sum3A_36 = vector.extract %reduce_sum3A_35[0, 0, 0] : f32 from vector<1x1x1xf32>
    %add3A = arith.addf %get3A_31, %reduce_sum3A_36 : f32
    %swap3A_37 = arith.constant 0 : index
    %swap3A_38 = arith.constant 0 : index
    %swap3A_39 = memref.load %arg4[%swap3A_37, %swap3A_38] : memref<3x1xf32, #tpu.memory_space<smem>>
    memref.store %add3A, %arg4[%swap3A_37, %swap3A_38] : memref<3x1xf32, #tpu.memory_space<smem>>
    %get3A_40 = arith.constant 1 : index
    %get3A_41 = arith.constant 0 : index
    %get3A_42 = memref.load %arg4[%get3A_40, %get3A_41] : memref<3x1xf32, #tpu.memory_space<smem>>
    %jit3A_43 = arith.constant 0.000000e+00 : f32
    %broadcast_in_dim3A_44 = vector.broadcast %jit3A_43 : f32 to vector<256x512xf32>
    %select_n3A_45 = arith.select %gt3A_25, %max3A_12, %broadcast_in_dim3A_44 : vector<256x512xi1>, vector<256x512xf32>
    %reduce_sum3A_46 = vector.shape_cast %select_n3A_45 : vector<256x512xf32> to vector<1x256x512xf32>
    %reduce_sum3A_47 = arith.constant dense<0.000000e+00> : vector<1xf32>
    %reduce_sum3A_48 = vector.multi_reduction <add>, %reduce_sum3A_46, %reduce_sum3A_47 [1, 2] : vector<1x256x512xf32> to vector<1xf32>
    %reduce_sum3A_49 = vector.shape_cast %reduce_sum3A_48 : vector<1xf32> to vector<1x1x1xf32>
    %reduce_sum3A_50 = vector.extract %reduce_sum3A_49[0, 0, 0] : f32 from vector<1x1x1xf32>
    %add3A_51 = arith.addf %get3A_42, %reduce_sum3A_50 : f32
    %swap3A_52 = arith.constant 1 : index
    %swap3A_53 = arith.constant 0 : index
    %swap3A_54 = memref.load %arg4[%swap3A_52, %swap3A_53] : memref<3x1xf32, #tpu.memory_space<smem>>
    memref.store %add3A_51, %arg4[%swap3A_52, %swap3A_53] : memref<3x1xf32, #tpu.memory_space<smem>>
    %get3A_55 = arith.constant 2 : index
    %get3A_56 = arith.constant 0 : index
    %get3A_57 = memref.load %arg4[%get3A_55, %get3A_56] : memref<3x1xf32, #tpu.memory_space<smem>>
    %convert_element_type3A_58 = arith.extui %gt3A_25 : vector<256x512xi1> to vector<256x512xi32>
    %convert_element_type3A_59 = arith.sitofp %convert_element_type3A_58 : vector<256x512xi32> to vector<256x512xf32>
    %reduce_sum3A_60 = vector.shape_cast %convert_element_type3A_59 : vector<256x512xf32> to vector<1x256x512xf32>
    %reduce_sum3A_61 = arith.constant dense<0.000000e+00> : vector<1xf32>
    %reduce_sum3A_62 = vector.multi_reduction <add>, %reduce_sum3A_60, %reduce_sum3A_61 [1, 2] : vector<1x256x512xf32> to vector<1xf32>
    %reduce_sum3A_63 = vector.shape_cast %reduce_sum3A_62 : vector<1xf32> to vector<1x1x1xf32>
    %reduce_sum3A_64 = vector.extract %reduce_sum3A_63[0, 0, 0] : f32 from vector<1x1x1xf32>
    %add3A_65 = arith.addf %get3A_57, %reduce_sum3A_64 : f32
    %swap3A_66 = arith.constant 2 : index
    %swap3A_67 = arith.constant 0 : index
    %swap3A_68 = memref.load %arg4[%swap3A_66, %swap3A_67] : memref<3x1xf32, #tpu.memory_space<smem>>
    memref.store %add3A_65, %arg4[%swap3A_66, %swap3A_67] : memref<3x1xf32, #tpu.memory_space<smem>>
    return
  }
  func.func @transform_0(%arg0: i32) -> (i32, i32, i32) {
    %jit3A = arith.constant 2 : i32
    %div3A = arith.divsi %arg0, %jit3A : i32
    %sign3A = arith.constant 0 : i32
    %sign3A_0 = arith.cmpi sgt, %arg0, %sign3A : i32
    %sign3A_1 = arith.extui %sign3A_0 : i1 to i32
    %sign3A_2 = arith.constant 0 : i32
    %sign3A_3 = arith.cmpi slt, %arg0, %sign3A_2 : i32
    %sign3A_4 = arith.extui %sign3A_3 : i1 to i32
    %sign3A_5 = arith.subi %sign3A_1, %sign3A_4 : i32
    %sign3A_6 = arith.constant 0 : i32
    %sign3A_7 = arith.cmpi sgt, %jit3A, %sign3A_6 : i32
    %sign3A_8 = arith.extui %sign3A_7 : i1 to i32
    %sign3A_9 = arith.constant 0 : i32
    %sign3A_10 = arith.cmpi slt, %jit3A, %sign3A_9 : i32
    %sign3A_11 = arith.extui %sign3A_10 : i1 to i32
    %sign3A_12 = arith.subi %sign3A_8, %sign3A_11 : i32
    %ne3A = arith.cmpi ne, %sign3A_5, %sign3A_12 : i32
    %rem3A = arith.remsi %arg0, %jit3A : i32
    %ne3A_13 = arith.constant 0 : i32
    %ne3A_14 = arith.cmpi ne, %rem3A, %ne3A_13 : i32
    %and3A = arith.andi %ne3A, %ne3A_14 : i1
    %sub3A = arith.constant 1 : i32
    %sub3A_15 = arith.subi %div3A, %sub3A : i32
    %select_n3A = arith.select %and3A, %sub3A_15, %div3A : i32
    %jit3A_16 = arith.constant 2 : i32
    %eq3A = arith.constant 0 : i32
    %eq3A_17 = arith.cmpi eq, %jit3A_16, %eq3A : i32
    %jit3A_18 = arith.constant 1 : i32
    %select_n3A_19 = arith.select %eq3A_17, %jit3A_18, %jit3A_16 : i32
    %rem3A_20 = arith.remsi %arg0, %select_n3A_19 : i32
    %ne3A_21 = arith.constant 0 : i32
    %ne3A_22 = arith.cmpi ne, %rem3A_20, %ne3A_21 : i32
    %lt3A = arith.constant 0 : i32
    %lt3A_23 = arith.cmpi slt, %rem3A_20, %lt3A : i32
    %lt3A_24 = arith.constant 0 : i32
    %lt3A_25 = arith.cmpi slt, %select_n3A_19, %lt3A_24 : i32
    %ne3A_26 = arith.xori %lt3A_23, %lt3A_25 : i1
    %and3A_27 = arith.andi %ne3A_26, %ne3A_22 : i1
    %add3A = arith.addi %rem3A_20, %select_n3A_19 : i32
    %select_n3A_28 = arith.select %and3A_27, %add3A, %rem3A_20 : i32
    %c0_i32 = arith.constant 0 : i32
    %c0_i32_29 = arith.constant 0 : i32
    return %select_n3A, %select_n3A_28, %c0_i32 : i32, i32, i32
  }
  func.func @transform_1(%arg0: i32) -> (i32, i32) {
    %c0_i32 = arith.constant 0 : i32
    %c0_i32_0 = arith.constant 0 : i32
    return %arg0, %c0_i32 : i32, i32
  }
  func.func @transform_2(%arg0: i32) -> (i32, i32) {
    %c0_i32 = arith.constant 0 : i32
    %c0_i32_0 = arith.constant 0 : i32
    return %arg0, %c0_i32 : i32, i32
  }
  func.func @transform_3(%arg0: i32) -> (i32, i32) {
    %c0_i32 = arith.constant 0 : i32
    %c0_i32_0 = arith.constant 0 : i32
    %c0_i32_1 = arith.constant 0 : i32
    return %c0_i32, %c0_i32_0 : i32, i32
  }
}

module attributes {stable_mosaic.version = 14 : i64} {
  func.func @_mini1_body(%arg0: i32, %arg1: memref<32x2048xf32, #tpu.memory_space<vmem>>, %arg2: memref<8x128xi32, #tpu.memory_space<vmem>>, %arg3: memref<2x1xf32, #tpu.memory_space<smem>>) attributes {dimension_semantics = [#tpu.dimension_semantics<arbitrary>], iteration_bounds = array<i64: 1>, scalar_prefetch = 0 : i64, scratch_operands = 0 : i64, tpu.core_type = #tpu.core_type<tc>, window_params = [{pipeline_mode = #tpu.pipeline_mode<synchronous>, transform_indices = @transform_0, window_bounds = array<i64: 32, 2048>}, {pipeline_mode = #tpu.pipeline_mode<synchronous>, transform_indices = @transform_1, window_bounds = array<i64: 8, 128>}, {transform_indices = @transform_2, window_bounds = array<i64: 2, 1>}]} {
    %get3A = arith.constant 0 : index
    %get3A_0 = arith.constant 0 : index
    %get3A_1 = vector.load %arg1[%get3A, %get3A_0] : memref<32x2048xf32, #tpu.memory_space<vmem>>, vector<32x2048xf32>
    %reduce_sum3A = arith.constant dense<0.000000e+00> : vector<2048xf32>
    %reduce_sum3A_2 = vector.multi_reduction <add>, %get3A_1, %reduce_sum3A [0] : vector<32x2048xf32> to vector<2048xf32>
    %broadcast_in_dim3A = vector.shape_cast %reduce_sum3A_2 : vector<2048xf32> to vector<1x2048xf32>
    %slice3A = vector.extract_strided_slice %broadcast_in_dim3A {offsets = [0, 1], sizes = [1, 2047], strides = [1, 1]} : vector<1x2048xf32> to vector<1x2047xf32>
    %broadcast_in_dim3A_3 = arith.constant 0.000000e+00 : f32
    %broadcast_in_dim3A_4 = vector.broadcast %broadcast_in_dim3A_3 : f32 to vector<1x1xf32>
    %concatenate3A = tpu.concatenate %slice3A, %broadcast_in_dim3A_4 in 1 : vector<1x2047xf32>, vector<1x1xf32> -> vector<1x2048xf32>
    %add3A = arith.addf %broadcast_in_dim3A, %concatenate3A : vector<1x2048xf32>
    %slice3A_5 = vector.extract_strided_slice %add3A {offsets = [0, 2], sizes = [1, 2046], strides = [1, 1]} : vector<1x2048xf32> to vector<1x2046xf32>
    %broadcast_in_dim3A_6 = arith.constant 0.000000e+00 : f32
    %broadcast_in_dim3A_7 = vector.broadcast %broadcast_in_dim3A_6 : f32 to vector<1x2xf32>
    %concatenate3A_8 = tpu.concatenate %slice3A_5, %broadcast_in_dim3A_7 in 1 : vector<1x2046xf32>, vector<1x2xf32> -> vector<1x2048xf32>
    %add3A_9 = arith.addf %add3A, %concatenate3A_8 : vector<1x2048xf32>
    %slice3A_10 = vector.extract_strided_slice %add3A_9 {offsets = [0, 4], sizes = [1, 2044], strides = [1, 1]} : vector<1x2048xf32> to vector<1x2044xf32>
    %broadcast_in_dim3A_11 = arith.constant 0.000000e+00 : f32
    %broadcast_in_dim3A_12 = vector.broadcast %broadcast_in_dim3A_11 : f32 to vector<1x4xf32>
    %concatenate3A_13 = tpu.concatenate %slice3A_10, %broadcast_in_dim3A_12 in 1 : vector<1x2044xf32>, vector<1x4xf32> -> vector<1x2048xf32>
    %add3A_14 = arith.addf %add3A_9, %concatenate3A_13 : vector<1x2048xf32>
    %slice3A_15 = vector.extract_strided_slice %add3A_14 {offsets = [0, 8], sizes = [1, 2040], strides = [1, 1]} : vector<1x2048xf32> to vector<1x2040xf32>
    %broadcast_in_dim3A_16 = arith.constant 0.000000e+00 : f32
    %broadcast_in_dim3A_17 = vector.broadcast %broadcast_in_dim3A_16 : f32 to vector<1x8xf32>
    %concatenate3A_18 = tpu.concatenate %slice3A_15, %broadcast_in_dim3A_17 in 1 : vector<1x2040xf32>, vector<1x8xf32> -> vector<1x2048xf32>
    %add3A_19 = arith.addf %add3A_14, %concatenate3A_18 : vector<1x2048xf32>
    %slice3A_20 = vector.extract_strided_slice %add3A_19 {offsets = [0, 16], sizes = [1, 2032], strides = [1, 1]} : vector<1x2048xf32> to vector<1x2032xf32>
    %broadcast_in_dim3A_21 = arith.constant 0.000000e+00 : f32
    %broadcast_in_dim3A_22 = vector.broadcast %broadcast_in_dim3A_21 : f32 to vector<1x16xf32>
    %concatenate3A_23 = tpu.concatenate %slice3A_20, %broadcast_in_dim3A_22 in 1 : vector<1x2032xf32>, vector<1x16xf32> -> vector<1x2048xf32>
    %add3A_24 = arith.addf %add3A_19, %concatenate3A_23 : vector<1x2048xf32>
    %slice3A_25 = vector.extract_strided_slice %add3A_24 {offsets = [0, 32], sizes = [1, 2016], strides = [1, 1]} : vector<1x2048xf32> to vector<1x2016xf32>
    %broadcast_in_dim3A_26 = arith.constant 0.000000e+00 : f32
    %broadcast_in_dim3A_27 = vector.broadcast %broadcast_in_dim3A_26 : f32 to vector<1x32xf32>
    %concatenate3A_28 = tpu.concatenate %slice3A_25, %broadcast_in_dim3A_27 in 1 : vector<1x2016xf32>, vector<1x32xf32> -> vector<1x2048xf32>
    %add3A_29 = arith.addf %add3A_24, %concatenate3A_28 : vector<1x2048xf32>
    %slice3A_30 = vector.extract_strided_slice %add3A_29 {offsets = [0, 64], sizes = [1, 1984], strides = [1, 1]} : vector<1x2048xf32> to vector<1x1984xf32>
    %broadcast_in_dim3A_31 = arith.constant 0.000000e+00 : f32
    %broadcast_in_dim3A_32 = vector.broadcast %broadcast_in_dim3A_31 : f32 to vector<1x64xf32>
    %concatenate3A_33 = tpu.concatenate %slice3A_30, %broadcast_in_dim3A_32 in 1 : vector<1x1984xf32>, vector<1x64xf32> -> vector<1x2048xf32>
    %add3A_34 = arith.addf %add3A_29, %concatenate3A_33 : vector<1x2048xf32>
    %slice3A_35 = vector.extract_strided_slice %add3A_34 {offsets = [0, 128], sizes = [1, 1920], strides = [1, 1]} : vector<1x2048xf32> to vector<1x1920xf32>
    %broadcast_in_dim3A_36 = arith.constant 0.000000e+00 : f32
    %broadcast_in_dim3A_37 = vector.broadcast %broadcast_in_dim3A_36 : f32 to vector<1x128xf32>
    %concatenate3A_38 = tpu.concatenate %slice3A_35, %broadcast_in_dim3A_37 in 1 : vector<1x1920xf32>, vector<1x128xf32> -> vector<1x2048xf32>
    %add3A_39 = arith.addf %add3A_34, %concatenate3A_38 : vector<1x2048xf32>
    %slice3A_40 = vector.extract_strided_slice %add3A_39 {offsets = [0, 256], sizes = [1, 1792], strides = [1, 1]} : vector<1x2048xf32> to vector<1x1792xf32>
    %broadcast_in_dim3A_41 = arith.constant 0.000000e+00 : f32
    %broadcast_in_dim3A_42 = vector.broadcast %broadcast_in_dim3A_41 : f32 to vector<1x256xf32>
    %concatenate3A_43 = tpu.concatenate %slice3A_40, %broadcast_in_dim3A_42 in 1 : vector<1x1792xf32>, vector<1x256xf32> -> vector<1x2048xf32>
    %add3A_44 = arith.addf %add3A_39, %concatenate3A_43 : vector<1x2048xf32>
    %slice3A_45 = vector.extract_strided_slice %add3A_44 {offsets = [0, 512], sizes = [1, 1536], strides = [1, 1]} : vector<1x2048xf32> to vector<1x1536xf32>
    %broadcast_in_dim3A_46 = arith.constant 0.000000e+00 : f32
    %broadcast_in_dim3A_47 = vector.broadcast %broadcast_in_dim3A_46 : f32 to vector<1x512xf32>
    %concatenate3A_48 = tpu.concatenate %slice3A_45, %broadcast_in_dim3A_47 in 1 : vector<1x1536xf32>, vector<1x512xf32> -> vector<1x2048xf32>
    %add3A_49 = arith.addf %add3A_44, %concatenate3A_48 : vector<1x2048xf32>
    %slice3A_50 = vector.extract_strided_slice %add3A_49 {offsets = [0, 1024], sizes = [1, 1024], strides = [1, 1]} : vector<1x2048xf32> to vector<1x1024xf32>
    %broadcast_in_dim3A_51 = arith.constant 0.000000e+00 : f32
    %broadcast_in_dim3A_52 = vector.broadcast %broadcast_in_dim3A_51 : f32 to vector<1x1024xf32>
    %concatenate3A_53 = tpu.concatenate %slice3A_50, %broadcast_in_dim3A_52 in 1 : vector<1x1024xf32>, vector<1x1024xf32> -> vector<1x2048xf32>
    %add3A_54 = arith.addf %add3A_49, %concatenate3A_53 : vector<1x2048xf32>
    %ge3A = arith.constant 6.553600e+04 : f32
    %ge3A_55 = vector.broadcast %ge3A : f32 to vector<1x2048xf32>
    %ge3A_56 = arith.cmpf oge, %add3A_54, %ge3A_55 : vector<1x2048xf32>
    %convert_element_type3A = arith.extui %ge3A_56 : vector<1x2048xi1> to vector<1x2048xi32>
    %convert_element_type3A_57 = arith.sitofp %convert_element_type3A : vector<1x2048xi32> to vector<1x2048xf32>
    %reduce_sum3A_58 = vector.shape_cast %convert_element_type3A_57 : vector<1x2048xf32> to vector<1x1x2048xf32>
    %reduce_sum3A_59 = arith.constant dense<0.000000e+00> : vector<1xf32>
    %reduce_sum3A_60 = vector.multi_reduction <add>, %reduce_sum3A_58, %reduce_sum3A_59 [1, 2] : vector<1x1x2048xf32> to vector<1xf32>
    %reduce_sum3A_61 = vector.shape_cast %reduce_sum3A_60 : vector<1xf32> to vector<1x1x1xf32>
    %reduce_sum3A_62 = vector.extract %reduce_sum3A_61[0, 0, 0] : f32 from vector<1x1x1xf32>
    %sub3A = arith.constant 1.000000e+00 : f32
    %sub3A_63 = arith.subf %reduce_sum3A_62, %sub3A : f32
    %iota3A = tpu.iota {dimensions = array<i32: 1>} : vector<1x2048xi32>
    %convert_element_type3A_64 = arith.sitofp %iota3A : vector<1x2048xi32> to vector<1x2048xf32>
    %gt3A = vector.broadcast %sub3A_63 : f32 to vector<1x2048xf32>
    %gt3A_65 = arith.cmpf ogt, %convert_element_type3A_64, %gt3A : vector<1x2048xf32>
    %jit3A = arith.constant 0.000000e+00 : f32
    %broadcast_in_dim3A_66 = vector.broadcast %jit3A : f32 to vector<1x2048xf32>
    %select_n3A = arith.select %gt3A_65, %broadcast_in_dim3A, %broadcast_in_dim3A_66 : vector<1x2048xi1>, vector<1x2048xf32>
    %reduce_sum3A_67 = vector.shape_cast %select_n3A : vector<1x2048xf32> to vector<1x1x2048xf32>
    %reduce_sum3A_68 = arith.constant dense<0.000000e+00> : vector<1xf32>
    %reduce_sum3A_69 = vector.multi_reduction <add>, %reduce_sum3A_67, %reduce_sum3A_68 [1, 2] : vector<1x1x2048xf32> to vector<1xf32>
    %reduce_sum3A_70 = vector.shape_cast %reduce_sum3A_69 : vector<1xf32> to vector<1x1x1xf32>
    %reduce_sum3A_71 = vector.extract %reduce_sum3A_70[0, 0, 0] : f32 from vector<1x1x1xf32>
    %sub3A_72 = arith.constant 6.553600e+04 : f32
    %sub3A_73 = arith.subf %sub3A_72, %reduce_sum3A_71 : f32
    %convert_element_type3A_74 = arith.fptosi %sub3A_63 : f32 to i32
    %broadcast_in_dim3A_75 = vector.broadcast %convert_element_type3A_74 : i32 to vector<8x128xi32>
    %swap3A = arith.constant 0 : index
    %swap3A_76 = arith.constant 0 : index
    %swap3A_77 = vector.load %arg2[%swap3A, %swap3A_76] : memref<8x128xi32, #tpu.memory_space<vmem>>, vector<8x128xi32>
    tpu.vector_store %arg2[%swap3A, %swap3A_76], %broadcast_in_dim3A_75 {strides = array<i32>} : memref<8x128xi32, #tpu.memory_space<vmem>>, vector<8x128xi32>,
    %swap3A_78 = arith.constant 0 : index
    %swap3A_79 = arith.constant 0 : index
    %swap3A_80 = memref.load %arg3[%swap3A_78, %swap3A_79] : memref<2x1xf32, #tpu.memory_space<smem>>
    memref.store %sub3A_63, %arg3[%swap3A_78, %swap3A_79] : memref<2x1xf32, #tpu.memory_space<smem>>
    %swap3A_81 = arith.constant 1 : index
    %swap3A_82 = arith.constant 0 : index
    %swap3A_83 = memref.load %arg3[%swap3A_81, %swap3A_82] : memref<2x1xf32, #tpu.memory_space<smem>>
    memref.store %sub3A_73, %arg3[%swap3A_81, %swap3A_82] : memref<2x1xf32, #tpu.memory_space<smem>>
    return
  }
  func.func @transform_0(%arg0: i32) -> (i32, i32) {
    %c0_i32 = arith.constant 0 : i32
    %c0_i32_0 = arith.constant 0 : i32
    %c0_i32_1 = arith.constant 0 : i32
    return %c0_i32, %c0_i32_0 : i32, i32
  }
  func.func @transform_1(%arg0: i32) -> (i32, i32) {
    %c0_i32 = arith.constant 0 : i32
    %c0_i32_0 = arith.constant 0 : i32
    %c0_i32_1 = arith.constant 0 : i32
    return %c0_i32, %c0_i32_0 : i32, i32
  }
  func.func @transform_2(%arg0: i32) -> (i32, i32) {
    %c0_i32 = arith.constant 0 : i32
    %c0_i32_0 = arith.constant 0 : i32
    %c0_i32_1 = arith.constant 0 : i32
    return %c0_i32, %c0_i32_0 : i32, i32
  }
}

module attributes {stable_mosaic.version = 14 : i64} {
  func.func @_mini2_body(%arg0: i32, %arg1: memref<512x512xf32, #tpu.memory_space<vmem>>, %arg2: memref<32x2048xf32, #tpu.memory_space<vmem>>, %arg3: memref<2x1xf32, #tpu.memory_space<smem>>, %arg4: memref<3x1xf32, #tpu.memory_space<smem>>, %arg5: memref<1x1xf32, #tpu.memory_space<smem>>, %arg6: memref<1x1xi32, #tpu.memory_space<smem>>, %arg7: memref<4x1xf32, #tpu.memory_space<smem>>) attributes {dimension_semantics = [#tpu.dimension_semantics<arbitrary>], iteration_bounds = array<i64: 4>, scalar_prefetch = 0 : i64, scratch_operands = 2 : i64, tpu.core_type = #tpu.core_type<tc>, window_params = [{transform_indices = @transform_0, window_bounds = array<i64: 512, 512>}, {pipeline_mode = #tpu.pipeline_mode<synchronous>, transform_indices = @transform_1, window_bounds = array<i64: 32, 2048>}, {transform_indices = @transform_2, window_bounds = array<i64: 2, 1>}, {transform_indices = @transform_3, window_bounds = array<i64: 3, 1>}, {transform_indices = @transform_4, window_bounds = array<i64: 1, 1>}]} {
    %eq3A = arith.constant 0 : i32
    %eq3A_0 = arith.cmpi eq, %arg0, %eq3A : i32
    %convert_element_type3A = arith.extui %eq3A_0 : i1 to i32
    %cond3A = arith.constant 0 : i32
    %cond3A_1 = arith.cmpi ne, %convert_element_type3A, %cond3A : i32
    scf.if %cond3A_1 {
      %get3A_41 = arith.constant 0 : index
      %get3A_42 = arith.constant 0 : index
      %get3A_43 = vector.load %arg2[%get3A_41, %get3A_42] : memref<32x2048xf32, #tpu.memory_space<vmem>>, vector<32x2048xf32>
      %reduce_sum3A_44 = arith.constant dense<0.000000e+00> : vector<2048xf32>
      %reduce_sum3A_45 = vector.multi_reduction <add>, %get3A_43, %reduce_sum3A_44 [0] : vector<32x2048xf32> to vector<2048xf32>
      %broadcast_in_dim3A_46 = vector.shape_cast %reduce_sum3A_45 : vector<2048xf32> to vector<1x2048xf32>
      %slice3A = vector.extract_strided_slice %broadcast_in_dim3A_46 {offsets = [0, 1], sizes = [1, 2047], strides = [1, 1]} : vector<1x2048xf32> to vector<1x2047xf32>
      %broadcast_in_dim3A_47 = arith.constant 0.000000e+00 : f32
      %broadcast_in_dim3A_48 = vector.broadcast %broadcast_in_dim3A_47 : f32 to vector<1x1xf32>
      %concatenate3A = tpu.concatenate %slice3A, %broadcast_in_dim3A_48 in 1 : vector<1x2047xf32>, vector<1x1xf32> -> vector<1x2048xf32>
      %add3A_49 = arith.addf %broadcast_in_dim3A_46, %concatenate3A : vector<1x2048xf32>
      %slice3A_50 = vector.extract_strided_slice %add3A_49 {offsets = [0, 2], sizes = [1, 2046], strides = [1, 1]} : vector<1x2048xf32> to vector<1x2046xf32>
      %broadcast_in_dim3A_51 = arith.constant 0.000000e+00 : f32
      %broadcast_in_dim3A_52 = vector.broadcast %broadcast_in_dim3A_51 : f32 to vector<1x2xf32>
      %concatenate3A_53 = tpu.concatenate %slice3A_50, %broadcast_in_dim3A_52 in 1 : vector<1x2046xf32>, vector<1x2xf32> -> vector<1x2048xf32>
      %add3A_54 = arith.addf %add3A_49, %concatenate3A_53 : vector<1x2048xf32>
      %slice3A_55 = vector.extract_strided_slice %add3A_54 {offsets = [0, 4], sizes = [1, 2044], strides = [1, 1]} : vector<1x2048xf32> to vector<1x2044xf32>
      %broadcast_in_dim3A_56 = arith.constant 0.000000e+00 : f32
      %broadcast_in_dim3A_57 = vector.broadcast %broadcast_in_dim3A_56 : f32 to vector<1x4xf32>
      %concatenate3A_58 = tpu.concatenate %slice3A_55, %broadcast_in_dim3A_57 in 1 : vector<1x2044xf32>, vector<1x4xf32> -> vector<1x2048xf32>
      %add3A_59 = arith.addf %add3A_54, %concatenate3A_58 : vector<1x2048xf32>
      %slice3A_60 = vector.extract_strided_slice %add3A_59 {offsets = [0, 8], sizes = [1, 2040], strides = [1, 1]} : vector<1x2048xf32> to vector<1x2040xf32>
      %broadcast_in_dim3A_61 = arith.constant 0.000000e+00 : f32
      %broadcast_in_dim3A_62 = vector.broadcast %broadcast_in_dim3A_61 : f32 to vector<1x8xf32>
      %concatenate3A_63 = tpu.concatenate %slice3A_60, %broadcast_in_dim3A_62 in 1 : vector<1x2040xf32>, vector<1x8xf32> -> vector<1x2048xf32>
      %add3A_64 = arith.addf %add3A_59, %concatenate3A_63 : vector<1x2048xf32>
      %slice3A_65 = vector.extract_strided_slice %add3A_64 {offsets = [0, 16], sizes = [1, 2032], strides = [1, 1]} : vector<1x2048xf32> to vector<1x2032xf32>
      %broadcast_in_dim3A_66 = arith.constant 0.000000e+00 : f32
      %broadcast_in_dim3A_67 = vector.broadcast %broadcast_in_dim3A_66 : f32 to vector<1x16xf32>
      %concatenate3A_68 = tpu.concatenate %slice3A_65, %broadcast_in_dim3A_67 in 1 : vector<1x2032xf32>, vector<1x16xf32> -> vector<1x2048xf32>
      %add3A_69 = arith.addf %add3A_64, %concatenate3A_68 : vector<1x2048xf32>
      %slice3A_70 = vector.extract_strided_slice %add3A_69 {offsets = [0, 32], sizes = [1, 2016], strides = [1, 1]} : vector<1x2048xf32> to vector<1x2016xf32>
      %broadcast_in_dim3A_71 = arith.constant 0.000000e+00 : f32
      %broadcast_in_dim3A_72 = vector.broadcast %broadcast_in_dim3A_71 : f32 to vector<1x32xf32>
      %concatenate3A_73 = tpu.concatenate %slice3A_70, %broadcast_in_dim3A_72 in 1 : vector<1x2016xf32>, vector<1x32xf32> -> vector<1x2048xf32>
      %add3A_74 = arith.addf %add3A_69, %concatenate3A_73 : vector<1x2048xf32>
      %slice3A_75 = vector.extract_strided_slice %add3A_74 {offsets = [0, 64], sizes = [1, 1984], strides = [1, 1]} : vector<1x2048xf32> to vector<1x1984xf32>
      %broadcast_in_dim3A_76 = arith.constant 0.000000e+00 : f32
      %broadcast_in_dim3A_77 = vector.broadcast %broadcast_in_dim3A_76 : f32 to vector<1x64xf32>
      %concatenate3A_78 = tpu.concatenate %slice3A_75, %broadcast_in_dim3A_77 in 1 : vector<1x1984xf32>, vector<1x64xf32> -> vector<1x2048xf32>
      %add3A_79 = arith.addf %add3A_74, %concatenate3A_78 : vector<1x2048xf32>
      %slice3A_80 = vector.extract_strided_slice %add3A_79 {offsets = [0, 128], sizes = [1, 1920], strides = [1, 1]} : vector<1x2048xf32> to vector<1x1920xf32>
      %broadcast_in_dim3A_81 = arith.constant 0.000000e+00 : f32
      %broadcast_in_dim3A_82 = vector.broadcast %broadcast_in_dim3A_81 : f32 to vector<1x128xf32>
      %concatenate3A_83 = tpu.concatenate %slice3A_80, %broadcast_in_dim3A_82 in 1 : vector<1x1920xf32>, vector<1x128xf32> -> vector<1x2048xf32>
      %add3A_84 = arith.addf %add3A_79, %concatenate3A_83 : vector<1x2048xf32>
      %slice3A_85 = vector.extract_strided_slice %add3A_84 {offsets = [0, 256], sizes = [1, 1792], strides = [1, 1]} : vector<1x2048xf32> to vector<1x1792xf32>
      %broadcast_in_dim3A_86 = arith.constant 0.000000e+00 : f32
      %broadcast_in_dim3A_87 = vector.broadcast %broadcast_in_dim3A_86 : f32 to vector<1x256xf32>
      %concatenate3A_88 = tpu.concatenate %slice3A_85, %broadcast_in_dim3A_87 in 1 : vector<1x1792xf32>, vector<1x256xf32> -> vector<1x2048xf32>
      %add3A_89 = arith.addf %add3A_84, %concatenate3A_88 : vector<1x2048xf32>
      %slice3A_90 = vector.extract_strided_slice %add3A_89 {offsets = [0, 512], sizes = [1, 1536], strides = [1, 1]} : vector<1x2048xf32> to vector<1x1536xf32>
      %broadcast_in_dim3A_91 = arith.constant 0.000000e+00 : f32
      %broadcast_in_dim3A_92 = vector.broadcast %broadcast_in_dim3A_91 : f32 to vector<1x512xf32>
      %concatenate3A_93 = tpu.concatenate %slice3A_90, %broadcast_in_dim3A_92 in 1 : vector<1x1536xf32>, vector<1x512xf32> -> vector<1x2048xf32>
      %add3A_94 = arith.addf %add3A_89, %concatenate3A_93 : vector<1x2048xf32>
      %slice3A_95 = vector.extract_strided_slice %add3A_94 {offsets = [0, 1024], sizes = [1, 1024], strides = [1, 1]} : vector<1x2048xf32> to vector<1x1024xf32>
      %broadcast_in_dim3A_96 = arith.constant 0.000000e+00 : f32
      %broadcast_in_dim3A_97 = vector.broadcast %broadcast_in_dim3A_96 : f32 to vector<1x1024xf32>
      %concatenate3A_98 = tpu.concatenate %slice3A_95, %broadcast_in_dim3A_97 in 1 : vector<1x1024xf32>, vector<1x1024xf32> -> vector<1x2048xf32>
      %add3A_99 = arith.addf %add3A_94, %concatenate3A_98 : vector<1x2048xf32>
      %get3A_100 = arith.constant 1 : index
      %get3A_101 = arith.constant 0 : index
      %get3A_102 = memref.load %arg3[%get3A_100, %get3A_101] : memref<2x1xf32, #tpu.memory_space<smem>>
      %ge3A = vector.broadcast %get3A_102 : f32 to vector<1x2048xf32>
      %ge3A_103 = arith.cmpf oge, %add3A_99, %ge3A : vector<1x2048xf32>
      %convert_element_type3A_104 = arith.extui %ge3A_103 : vector<1x2048xi1> to vector<1x2048xi32>
      %convert_element_type3A_105 = arith.sitofp %convert_element_type3A_104 : vector<1x2048xi32> to vector<1x2048xf32>
      %reduce_sum3A_106 = vector.shape_cast %convert_element_type3A_105 : vector<1x2048xf32> to vector<1x1x2048xf32>
      %reduce_sum3A_107 = arith.constant dense<0.000000e+00> : vector<1xf32>
      %reduce_sum3A_108 = vector.multi_reduction <add>, %reduce_sum3A_106, %reduce_sum3A_107 [1, 2] : vector<1x1x2048xf32> to vector<1xf32>
      %reduce_sum3A_109 = vector.shape_cast %reduce_sum3A_108 : vector<1xf32> to vector<1x1x1xf32>
      %reduce_sum3A_110 = vector.extract %reduce_sum3A_109[0, 0, 0] : f32 from vector<1x1x1xf32>
      %sub3A = arith.constant 1.000000e+00 : f32
      %sub3A_111 = arith.subf %reduce_sum3A_110, %sub3A : f32
      %iota3A = tpu.iota {dimensions = array<i32: 1>} : vector<1x2048xi32>
      %convert_element_type3A_112 = arith.sitofp %iota3A : vector<1x2048xi32> to vector<1x2048xf32>
      %gt3A_113 = vector.broadcast %sub3A_111 : f32 to vector<1x2048xf32>
      %gt3A_114 = arith.cmpf ogt, %convert_element_type3A_112, %gt3A_113 : vector<1x2048xf32>
      %jit3A_115 = arith.constant 0.000000e+00 : f32
      %broadcast_in_dim3A_116 = vector.broadcast %jit3A_115 : f32 to vector<1x2048xf32>
      %select_n3A_117 = arith.select %gt3A_114, %broadcast_in_dim3A_46, %broadcast_in_dim3A_116 : vector<1x2048xi1>, vector<1x2048xf32>
      %reduce_sum3A_118 = vector.shape_cast %select_n3A_117 : vector<1x2048xf32> to vector<1x1x2048xf32>
      %reduce_sum3A_119 = arith.constant dense<0.000000e+00> : vector<1xf32>
      %reduce_sum3A_120 = vector.multi_reduction <add>, %reduce_sum3A_118, %reduce_sum3A_119 [1, 2] : vector<1x1x2048xf32> to vector<1xf32>
      %reduce_sum3A_121 = vector.shape_cast %reduce_sum3A_120 : vector<1xf32> to vector<1x1x1xf32>
      %reduce_sum3A_122 = vector.extract %reduce_sum3A_121[0, 0, 0] : f32 from vector<1x1x1xf32>
      %eq3A_123 = vector.broadcast %sub3A_111 : f32 to vector<1x2048xf32>
      %eq3A_124 = arith.cmpf oeq, %convert_element_type3A_112, %eq3A_123 : vector<1x2048xf32>
      %jit3A_125 = arith.constant 0.000000e+00 : f32
      %broadcast_in_dim3A_126 = vector.broadcast %jit3A_125 : f32 to vector<1x2048xf32>
      %select_n3A_127 = arith.select %eq3A_124, %broadcast_in_dim3A_46, %broadcast_in_dim3A_126 : vector<1x2048xi1>, vector<1x2048xf32>
      %reduce_sum3A_128 = vector.shape_cast %select_n3A_127 : vector<1x2048xf32> to vector<1x1x2048xf32>
      %reduce_sum3A_129 = arith.constant dense<0.000000e+00> : vector<1xf32>
      %reduce_sum3A_130 = vector.multi_reduction <add>, %reduce_sum3A_128, %reduce_sum3A_129 [1, 2] : vector<1x1x2048xf32> to vector<1xf32>
      %reduce_sum3A_131 = vector.shape_cast %reduce_sum3A_130 : vector<1xf32> to vector<1x1x1xf32>
      %reduce_sum3A_132 = vector.extract %reduce_sum3A_131[0, 0, 0] : f32 from vector<1x1x1xf32>
      %get3A_133 = arith.constant 0 : index
      %get3A_134 = arith.constant 0 : index
      %get3A_135 = memref.load %arg3[%get3A_133, %get3A_134] : memref<2x1xf32, #tpu.memory_space<smem>>
      %mul3A = arith.constant 2.048000e+03 : f32
      %mul3A_136 = arith.mulf %get3A_135, %mul3A : f32
      %add3A_137 = arith.addf %mul3A_136, %sub3A_111 : f32
      %convert_element_type3A_138 = arith.fptosi %add3A_137 : f32 to i32
      %swap3A_139 = arith.constant 0 : index
      %swap3A_140 = arith.constant 0 : index
      %swap3A_141 = memref.load %arg6[%swap3A_139, %swap3A_140] : memref<1x1xi32, #tpu.memory_space<smem>>
      memref.store %convert_element_type3A_138, %arg6[%swap3A_139, %swap3A_140] : memref<1x1xi32, #tpu.memory_space<smem>>
      %swap3A_142 = arith.constant 0.000000e+00 : f32
      %swap3A_143 = arith.constant 0 : index
      %swap3A_144 = arith.constant 0 : index
      %swap3A_145 = memref.load %arg7[%swap3A_143, %swap3A_144] : memref<4x1xf32, #tpu.memory_space<smem>>
      memref.store %swap3A_142, %arg7[%swap3A_143, %swap3A_144] : memref<4x1xf32, #tpu.memory_space<smem>>
      %swap3A_146 = arith.constant 0.000000e+00 : f32
      %swap3A_147 = arith.constant 1 : index
      %swap3A_148 = arith.constant 0 : index
      %swap3A_149 = memref.load %arg7[%swap3A_147, %swap3A_148] : memref<4x1xf32, #tpu.memory_space<smem>>
      memref.store %swap3A_146, %arg7[%swap3A_147, %swap3A_148] : memref<4x1xf32, #tpu.memory_space<smem>>
      %sub3A_150 = arith.subf %get3A_102, %reduce_sum3A_122 : f32
      %swap3A_151 = arith.constant 2 : index
      %swap3A_152 = arith.constant 0 : index
      %swap3A_153 = memref.load %arg7[%swap3A_151, %swap3A_152] : memref<4x1xf32, #tpu.memory_space<smem>>
      memref.store %sub3A_150, %arg7[%swap3A_151, %swap3A_152] : memref<4x1xf32, #tpu.memory_space<smem>>
      %swap3A_154 = arith.constant 3 : index
      %swap3A_155 = arith.constant 0 : index
      %swap3A_156 = memref.load %arg7[%swap3A_154, %swap3A_155] : memref<4x1xf32, #tpu.memory_space<smem>>
      memref.store %reduce_sum3A_132, %arg7[%swap3A_154, %swap3A_155] : memref<4x1xf32, #tpu.memory_space<smem>>
    } else {
    }
    %get3A = arith.constant 0 : index
    %get3A_2 = arith.constant 0 : index
    %get3A_3 = vector.load %arg1[%get3A, %get3A_2] : memref<512x512xf32, #tpu.memory_space<vmem>>, vector<512x512xf32>
    %bitcast_convert_type3A = tpu.bitcast %get3A_3 : vector<512x512xf32> -> vector<512x512xi32>
    %shift_right_logical3A = arith.constant 10 : i32
    %shift_right_logical3A_4 = vector.broadcast %shift_right_logical3A : i32 to vector<512x512xi32>
    %shift_right_logical3A_5 = arith.shrui %bitcast_convert_type3A, %shift_right_logical3A_4 : vector<512x512xi32>
    %get3A_6 = arith.constant 0 : index
    %get3A_7 = arith.constant 0 : index
    %get3A_8 = memref.load %arg6[%get3A_6, %get3A_7] : memref<1x1xi32, #tpu.memory_space<smem>>
    %get3A_9 = arith.constant 0 : index
    %get3A_10 = arith.constant 0 : index
    %get3A_11 = memref.load %arg7[%get3A_9, %get3A_10] : memref<4x1xf32, #tpu.memory_space<smem>>
    %gt3A = vector.broadcast %get3A_8 : i32 to vector<512x512xi32>
    %gt3A_12 = arith.cmpi sgt, %shift_right_logical3A_5, %gt3A : vector<512x512xi32>
    %jit3A = arith.constant 0.000000e+00 : f32
    %broadcast_in_dim3A = vector.broadcast %jit3A : f32 to vector<512x512xf32>
    %select_n3A = arith.select %gt3A_12, %get3A_3, %broadcast_in_dim3A : vector<512x512xi1>, vector<512x512xf32>
    %reduce_sum3A = vector.shape_cast %select_n3A : vector<512x512xf32> to vector<1x512x512xf32>
    %reduce_sum3A_13 = arith.constant dense<0.000000e+00> : vector<1xf32>
    %reduce_sum3A_14 = vector.multi_reduction <add>, %reduce_sum3A, %reduce_sum3A_13 [1, 2] : vector<1x512x512xf32> to vector<1xf32>
    %reduce_sum3A_15 = vector.shape_cast %reduce_sum3A_14 : vector<1xf32> to vector<1x1x1xf32>
    %reduce_sum3A_16 = vector.extract %reduce_sum3A_15[0, 0, 0] : f32 from vector<1x1x1xf32>
    %add3A = arith.addf %get3A_11, %reduce_sum3A_16 : f32
    %swap3A = arith.constant 0 : index
    %swap3A_17 = arith.constant 0 : index
    %swap3A_18 = memref.load %arg7[%swap3A, %swap3A_17] : memref<4x1xf32, #tpu.memory_space<smem>>
    memref.store %add3A, %arg7[%swap3A, %swap3A_17] : memref<4x1xf32, #tpu.memory_space<smem>>
    %get3A_19 = arith.constant 1 : index
    %get3A_20 = arith.constant 0 : index
    %get3A_21 = memref.load %arg7[%get3A_19, %get3A_20] : memref<4x1xf32, #tpu.memory_space<smem>>
    %eq3A_22 = vector.broadcast %get3A_8 : i32 to vector<512x512xi32>
    %eq3A_23 = arith.cmpi eq, %shift_right_logical3A_5, %eq3A_22 : vector<512x512xi32>
    %jit3A_24 = arith.constant 0.000000e+00 : f32
    %broadcast_in_dim3A_25 = vector.broadcast %jit3A_24 : f32 to vector<512x512xf32>
    %select_n3A_26 = arith.select %eq3A_23, %get3A_3, %broadcast_in_dim3A_25 : vector<512x512xi1>, vector<512x512xf32>
    %reduce_sum3A_27 = vector.shape_cast %select_n3A_26 : vector<512x512xf32> to vector<1x512x512xf32>
    %reduce_sum3A_28 = arith.constant dense<0.000000e+00> : vector<1xf32>
    %reduce_sum3A_29 = vector.multi_reduction <add>, %reduce_sum3A_27, %reduce_sum3A_28 [1, 2] : vector<1x512x512xf32> to vector<1xf32>
    %reduce_sum3A_30 = vector.shape_cast %reduce_sum3A_29 : vector<1xf32> to vector<1x1x1xf32>
    %reduce_sum3A_31 = vector.extract %reduce_sum3A_30[0, 0, 0] : f32 from vector<1x1x1xf32>
    %add3A_32 = arith.addf %get3A_21, %reduce_sum3A_31 : f32
    %swap3A_33 = arith.constant 1 : index
    %swap3A_34 = arith.constant 0 : index
    %swap3A_35 = memref.load %arg7[%swap3A_33, %swap3A_34] : memref<4x1xf32, #tpu.memory_space<smem>>
    memref.store %add3A_32, %arg7[%swap3A_33, %swap3A_34] : memref<4x1xf32, #tpu.memory_space<smem>>
    %eq3A_36 = arith.constant 3 : i32
    %eq3A_37 = arith.cmpi eq, %arg0, %eq3A_36 : i32
    %convert_element_type3A_38 = arith.extui %eq3A_37 : i1 to i32
    %cond3A_39 = arith.constant 0 : i32
    %cond3A_40 = arith.cmpi ne, %convert_element_type3A_38, %cond3A_39 : i32
    scf.if %cond3A_40 {
      %get3A_41 = arith.constant 0 : index
      %get3A_42 = arith.constant 0 : index
      %get3A_43 = memref.load %arg7[%get3A_41, %get3A_42] : memref<4x1xf32, #tpu.memory_space<smem>>
      %get3A_44 = arith.constant 1 : index
      %get3A_45 = arith.constant 0 : index
      %get3A_46 = memref.load %arg7[%get3A_44, %get3A_45] : memref<4x1xf32, #tpu.memory_space<smem>>
      %get3A_47 = arith.constant 2 : index
      %get3A_48 = arith.constant 0 : index
      %get3A_49 = memref.load %arg7[%get3A_47, %get3A_48] : memref<4x1xf32, #tpu.memory_space<smem>>
      %get3A_50 = arith.constant 3 : index
      %get3A_51 = arith.constant 0 : index
      %get3A_52 = memref.load %arg7[%get3A_50, %get3A_51] : memref<4x1xf32, #tpu.memory_space<smem>>
      %mul3A = arith.mulf %get3A_49, %get3A_46 : f32
      %div3A = arith.divf %mul3A, %get3A_52 : f32
      %add3A_53 = arith.addf %get3A_43, %div3A : f32
      %div3A_54 = arith.constant 6.553600e+04 : f32
      %div3A_55 = arith.divf %add3A_53, %div3A_54 : f32
      %get3A_56 = arith.constant 0 : index
      %get3A_57 = arith.constant 0 : index
      %get3A_58 = memref.load %arg4[%get3A_56, %get3A_57] : memref<3x1xf32, #tpu.memory_space<smem>>
      %div3A_59 = arith.constant 0x49800000 : f32
      %div3A_60 = arith.divf %get3A_58, %div3A_59 : f32
      %get3A_61 = arith.constant 1 : index
      %get3A_62 = arith.constant 0 : index
      %get3A_63 = memref.load %arg4[%get3A_61, %get3A_62] : memref<3x1xf32, #tpu.memory_space<smem>>
      %get3A_64 = arith.constant 2 : index
      %get3A_65 = arith.constant 0 : index
      %get3A_66 = memref.load %arg4[%get3A_64, %get3A_65] : memref<3x1xf32, #tpu.memory_space<smem>>
      %max3A = arith.constant 1.000000e+00 : f32
      %max3A_67 = arith.maximumf %get3A_66, %max3A : f32
      %div3A_68 = arith.divf %get3A_63, %max3A_67 : f32
      %get3A_69 = arith.constant 2 : index
      %get3A_70 = arith.constant 0 : index
      %get3A_71 = memref.load %arg4[%get3A_69, %get3A_70] : memref<3x1xf32, #tpu.memory_space<smem>>
      %lt3A = arith.constant 6.553600e+04 : f32
      %lt3A_72 = arith.cmpf olt, %get3A_71, %lt3A : f32
      %select_n3A_73 = arith.select %lt3A_72, %div3A_55, %div3A_68 : f32
      %add3A_74 = arith.addf %div3A_60, %select_n3A_73 : f32
      %swap3A_75 = arith.constant 0 : index
      %swap3A_76 = arith.constant 0 : index
      %swap3A_77 = memref.load %arg5[%swap3A_75, %swap3A_76] : memref<1x1xf32, #tpu.memory_space<smem>>
      memref.store %add3A_74, %arg5[%swap3A_75, %swap3A_76] : memref<1x1xf32, #tpu.memory_space<smem>>
    } else {
    }
    return
  }
  func.func @transform_0(%arg0: i32) -> (i32, i32) {
    %c0_i32 = arith.constant 0 : i32
    %c0_i32_0 = arith.constant 0 : i32
    return %arg0, %c0_i32 : i32, i32
  }
  func.func @transform_1(%arg0: i32) -> (i32, i32) {
    %c0_i32 = arith.constant 0 : i32
    %c0_i32_0 = arith.constant 0 : i32
    %c0_i32_1 = arith.constant 0 : i32
    return %c0_i32, %c0_i32_0 : i32, i32
  }
  func.func @transform_2(%arg0: i32) -> (i32, i32) {
    %c0_i32 = arith.constant 0 : i32
    %c0_i32_0 = arith.constant 0 : i32
    %c0_i32_1 = arith.constant 0 : i32
    return %c0_i32, %c0_i32_0 : i32, i32
  }
  func.func @transform_3(%arg0: i32) -> (i32, i32) {
    %c0_i32 = arith.constant 0 : i32
    %c0_i32_0 = arith.constant 0 : i32
    %c0_i32_1 = arith.constant 0 : i32
    return %c0_i32, %c0_i32_0 : i32, i32
  }
  func.func @transform_4(%arg0: i32) -> (i32, i32) {
    %c0_i32 = arith.constant 0 : i32
    %c0_i32_0 = arith.constant 0 : i32
    %c0_i32_1 = arith.constant 0 : i32
    return %c0_i32, %c0_i32_0 : i32, i32
  }
}

</mosaic_0001>

<sc_bundles>
// kernel: kernel.10.cloned.1.call-start
scs
__scs_entry_jumppad:
0x0: {  	(pc) =	sbr.rel $0x88, $3  }
0x1: {  	(tag) =	ssettag $0x0;
	lr =	simm.s32 $0x1  }
0x2: {  	[smem:$0x3F9F] =	sst lr;
	_ =	strace $0xD0000000  }
0x3: {  	_ = 	snop  }
0x4: {  	_ = 	snop  }
0x5: {  	_ = 	snop  }
0x6: {  	_ = 	snop  }
0x7: {  	_ = 	snop  }
__scs_overlays_trampoline_lowered:
0x8: {  	[smem:$0x3FAE] =	sst s0  }
0x9: {  	[smem:$0x3FAF] =	sst s1  }
0xa: {  	[smem:$0x3FB0] =	sst s2  }
0xb: {  	[smem:$0x3FB1] =	sst s3  }
0xc: {  	[smem:$0x3FB2] =	sst s4  }
0xd: {  	[smem:$0x3FB3] =	sst s5  }
0xe: {  	[smem:$0x3FB4] =	sst s6  }
0xf: {  	[smem:$0x3FB5] =	sst s7  }
0x10: {  	[smem:$0x3FB6] =	sst s8  }
0x11: {  	[smem:$0x3FB7] =	sst s9;
	s0 =	simm.s32 @!p0 $0x0  }
0x12: {  	s1 =	sld [smem:$0x3F9D];
	s0 =	simm.s32 @p0 $0x1  }
0x13: {  	[smem:$0x3FB8] =	sst s0;
	s0 =	simm.s32 @!p1 $0x0  }
0x14: {  	s2 =	sld [smem:$0x3F9C];
	s0 =	simm.s32 @p1 $0x1  }
0x15: {  	[smem:$0x3FB9] =	sst s0;
	s0 =	simm.s32 @!p2 $0x0  }
0x16: {  	s3 =	sld [smem:$0x3FDB];
	s0 =	simm.s32 @p2 $0x1  }
0x17: {  	s4 =	simm.s32 $0x1BF5;
	[smem:$0x3FBB] =	sst s0  }
0x18: {  	s0 =	sld [smem:$0x3F9E];
	_ =	swait.ge [sflag:s4], $0x0  }
0x19: {  	s7 =	sld [smem:$0x3F9F]  }
0x1a: {  	s8 =	sadd.s32 $0xFFFFE003, lr  }
0x1b: {  	s9 =	sadd.s32 $0xFFFFFEF7, lr;
	s5 =	simm.s32 $0xFFFFFFFF;
	p2 =	slt.u32 s8, $0xFFFFF086  }
0x1c: {  	p1 =	slt.u32 s9, $0xF7A;
	s5 =	simm.s32 @!p2 $0x0  }
0x1d: {  	s5 =	simm.s32 @p1 $0x1;
	p0 =	seq.s32 s7, s2  }
0x1e: {  	s7 =	smul.u32 @!p0 $0xF7A, s2;
	p2 =	seq.s32 @!p0 s5, $0x0  }
0x1f: {  	s9 =	smul.u32 $0xF7A, s1;
	s8 =	simm.s32 @!p0 $0x1BF5;
	p2 =	por !p2, p0  }
0x20: {  	[sflag:s8] =	ssyncset.s32 @!p0 $0xFFFFF086;
	s6 =	sadd.s32 @!p0 s3, s7;
	s7 =	simm.s32 @!p0 $0x108  }
0x21: {  	s3 =	sadd.s32 s3, s9;
	s6 =	sadd.s32 @!p0 $0x88, s6;
	s7 =	simm.s32 @p2 $0x1082  }
0x22: {  	[simem:s7], [sflag:s8] =	dma.local @!p0 [hbm:s6], $0xF7A  }
0x23: {  	s9 =	sor.u32 $0xD0000000, s2;
	s6 =	simm.s32 $0x108;
	_ =	swait.ge @!p0 [sflag:s8], $0x0  }
0x24: {  	s3 =	sadd.s32 $0x88, s3;
	s6 =	simm.s32 @!p1 $0x1082;
	[sflag:s4] =	ssyncset.s32 $0xFFFFF086  }
0x25: {  	[simem:s6], [sflag:s4] =	dma.local [hbm:s3], $0xF7A  }
0x26: {  	[smem:$0x3F9F] =	sst s1;
	(tag) =	ssettag s2;
	_ =	strace s9  }
0x27: {  	s1 =	sld [smem:$0x3FAF]  }
0x28: {  	s2 =	sld [smem:$0x3FB0]  }
0x29: {  	s4 =	sld [smem:$0x3FB2]  }
0x2a: {  	p0 =	seq.s32 s5, $0x0;
	s5 =	sld [smem:$0x3FB3]  }
0x2b: {  	s6 =	sld [smem:$0x3FB4]  }
0x2c: {  	s7 =	sld [smem:$0x3FB5]  }
0x2d: {  	s3 =	simm.s32 $0x108;
	s8 =	sld [smem:$0x3FB6]  }
0x2e: {  	s3 =	simm.s32 @!p0 $0x1082;
	s9 =	sld [smem:$0x3FB7]  }
0x2f: {  	lr =	sadd.s32 s0, s3;
	s0 =	sld [smem:$0x3FAE]  }
0x30: {  	s3 =	sld [smem:$0x3FB1]  }
0x31: {  	[smem:$0x3FBA] =	sst s10  }
0x32: {  	s10 =	sld [smem:$0x3FB8];
	_ =	sdelay $0x3  }
0x33: {  	p0 =	seq.s32 s10, $0x1;
	s10 =	sld [smem:$0x3FBA];
	_ =	sdelay $0x3  }
0x34: {  	[smem:$0x3FBA] =	sst s10  }
0x35: {  	s10 =	sld [smem:$0x3FB9];
	_ =	sdelay $0x3  }
0x36: {  	p1 =	seq.s32 s10, $0x1;
	s10 =	sld [smem:$0x3FBA];
	_ =	sdelay $0x3  }
0x37: {  	[smem:$0x3FBA] =	sst s10  }
0x38: {  	s10 =	sld [smem:$0x3FBB]  }
0x39: {  	_ = 	snop;
	(pc) =	sbr.ind lr, $3  }
0x3a: {  	_ = 	snop  }
0x3b: {  	_ = 	snop  }
0x3c: {  	p2 =	seq.s32 s10, $0x1;
	s10 =	sld [smem:$0x3FBA]  }
0x3d: {  	_ =	shalt  }
0x3e: {  	_ =	shalt  }
0x3f: {  	_ =	shalt  }
0x40: {  	_ =	shalt  }
0x41: {  	_ =	shalt  }
0x42: {  	_ =	shalt  }
0x43: {  	_ =	shalt  }
0x44: {  	_ =	shalt  }
0x45: {  	_ =	shalt  }
0x46: {  	_ =	shalt  }
0x47: {  	_ =	shalt  }
0x48: {  	_ =	shalt  }
0x49: {  	_ =	shalt  }
0x4a: {  	_ =	shalt  }
0x4b: {  	_ =	shalt  }
0x4c: {  	_ =	shalt  }
0x4d: {  	_ =	shalt  }
0x4e: {  	_ =	shalt  }
0x4f: {  	_ =	shalt  }
0x50: {  	_ =	shalt  }
0x51: {  	_ =	shalt  }
0x52: {  	_ =	shalt  }
0x53: {  	_ =	shalt  }
0x54: {  	_ =	shalt  }
0x55: {  	_ =	shalt  }
0x56: {  	_ =	shalt  }
0x57: {  	_ =	shalt  }
0x58: {  	_ =	shalt  }
0x59: {  	_ =	shalt  }
0x5a: {  	_ =	shalt  }
0x5b: {  	_ =	shalt  }
0x5c: {  	_ =	shalt  }
0x5d: {  	_ =	shalt  }
0x5e: {  	_ =	shalt  }
0x5f: {  	_ =	shalt  }
0x60: {  	_ =	shalt  }
0x61: {  	_ =	shalt  }
0x62: {  	_ =	shalt  }
0x63: {  	_ =	shalt  }
0x64: {  	_ =	shalt  }
0x65: {  	_ =	shalt  }
0x66: {  	_ =	shalt  }
0x67: {  	_ =	shalt  }
0x68: {  	_ =	shalt  }
0x69: {  	_ =	shalt  }
0x6a: {  	_ =	shalt  }
0x6b: {  	_ =	shalt  }
0x6c: {  	_ =	shalt  }
0x6d: {  	_ =	shalt  }
0x6e: {  	_ =	shalt  }
0x6f: {  	_ =	shalt  }
0x70: {  	_ =	shalt  }
0x71: {  	_ =	shalt  }
0x72: {  	_ =	shalt  }
0x73: {  	_ =	shalt  }
0x74: {  	_ =	shalt  }
0x75: {  	_ =	shalt  }
0x76: {  	_ =	shalt  }
0x77: {  	_ =	shalt  }
0x78: {  	_ =	shalt  }
0x79: {  	_ =	shalt  }
0x7a: {  	_ =	shalt  }
0x7b: {  	_ =	shalt  }
0x7c: {  	_ =	shalt  }
0x7d: {  	_ =	shalt  }
0x7e: {  	_ =	shalt  }
0x7f: {  	_ =	shalt  }
0x80: {  	_ =	shalt  }
0x81: {  	_ =	shalt  }
0x82: {  	_ =	shalt  }
0x83: {  	_ =	shalt  }
0x84: {  	_ =	shalt  }
0x85: {  	_ =	shalt  }
0x86: {  	_ =	shalt  }
0x87: {  	_ =	shalt  }
.Lfunc_end0:
.L_simem_size_0:
called_computation.1_lowered:
.L_overlay_start_0:
0x88: {  	s2 =	sld [smem:$0x3FD9]  }
0x89: {  	s3 =	sld [smem:$0x3FFE];
	_ =	sdelay $0x1  }
0x8a: {  	s1 =	srdreg.scid  }
0x8b: {  	s0 =	sand.u32 $0x1, s1  }
0x8c: {  	s16 =	sshll.u32 s0, $0xA;
	s2 =	sadd.s32 s3, s2  }
0x8d: {  	s2 =	sadd.s32 s2, s16  }
0x8e: {  	[smem:$0x3FC6] =	sst s2  }
0x8f: {  	_ = 	snop  }
0x90: {  	(tm) =	ssettm $0x1  }
0x91: {  	s17 =	sld [smem:$0x3FFB];
	_ =	sdelay $0x3  }
0x92: {  	_ =	strace s17  }
0x93: {  	s2 =	sld [smem:$0x3FFC];
	_ =	sdelay $0x3  }
0x94: {  	_ =	strace s2  }
0x95: {  	s2 =	sld [smem:$0x3FFD];
	_ =	sdelay $0x3  }
0x96: {  	_ =	strace s2  }
0x97: {  	_ =	strace $0x8FFFFFFF  }
0x98: {  	s18 =	sld [smem:$0x3FDB];
	_ =	sdelay $0x1  }
0x99: {  	s19 =	simm.s32 $_scs_section_size  }
0x9a: {  	s4 =	simm.s32 $_size__tile_overlayer_lowered;
	s5 =	simm.s32 $_tile_overlayer_lowered  }
0x9b: {  	s22 =	simm.s32 $0x1BFF;
	s21 =	sshll.u32 s5, $0x1;
	s2 =	sadd.s32 s19, s18  }
0x9c: {  	s6 =	simm.s32 $0x0;
	s20 =	sshll.u32 s4, $0x1;
	s4 =	sadd.s32 s21, s2  }
0x9d: {  	[timem:s6], [sflag:s22] =	dma.local [hbm:s4], s20  }
0x9e: {  	_ =	swait.ge [sflag:s22], s20  }
0x9f: {  	s3 =	ssub.s32 $0x0, s20;
	[sflag:s22] =	ssyncset.done $0x0  }
0xa0: {  	[sflag:s22] =	ssyncadd.s32 s3;
	_ =	sdelay $0x1  }
0xa1: {  	s23 =	simm.s32 $0x1B8B  }
0xa2: {  	_ =	swait.ge [sflag:s23], $0x1  }
0xa3: {  	[sflag:s23] =	ssyncset.done $0x0  }
0xa4: {  	s25 =	simm.s32 $0x1B8E;
	s24 =	sld [smem:$0x3FFE];
	[sflag:s23] =	ssyncadd.s32 $0xFFFFFFFF  }
0xa5: {  	s26 =	simm.s32 $execute0_lowered;
	[smem:$0x3FD2] =	sst s25  }
0xa6: {  	s4 =	sshll.u32 s26, $0x1;
	_ =	strace $0x80000049;
	[dreg:$0x1] =	wrdreg $0xFFFFFFFF  }
0xa7: {  	s28 =	simm.s32 $_size_execute0_lowered;
	s2 =	sadd.s32 s2, s4;
	[dreg:$0x0] =	wrdreg $0x0  }
0xa8: {  	s4 =	sshll.u32 s28, $0x1;
	[dreg:$0x2] =	wrdreg s2  }
0xa9: {  	[dreg:$0x3] =	wrdreg s4  }
0xaa: {  	[dreg:$0x4] =	wrdreg $0xC0  }
0xab: {  	_ =	task [dreg:s6], $0x5FFFF  }
0xac: {  	[dreg:$0x1] =	wrdreg $0xFFFFFFFF  }
0xad: {  	[dreg:$0x0] =	wrdreg $0x60  }
0xae: {  	[dreg:$0x2] =	wrdreg s24  }
0xaf: {  	[dreg:$0x3] =	wrdreg $0x9  }
0xb0: {  	_ =	task.clear_ibuf [dreg:s6], $0x4FFFF;
	_ =	strace $0x90000049  }
0xb1: {  	s29 =	simm.s32 $0x9;
	_ =	strace $0x8000004B  }
0xb2: {  	_ =	swait.ge [sflag:s29], $0x1  }
0xb3: {  	[sflag:s29] =	ssyncadd.s32 $0xFFFFFFFF  }
0xb4: {  	_ =	strace $0x9000004B  }
0xb5: {  	_ =	sfence  }
0xb6: {  	s30 =	sld [smem:$0x0];
	_ =	sdelay $0x2  }
0xb7: {  	s31 =	sshll.u32 s1, $0xD;
	s1 =	sshrl.u32 s1, $0x2  }
0xb8: {  	s3 =	sand.u32 $0x4000, s31;
	s1 =	sadd.s32 s1, s30  }
0xb9: {  	s0 =	sor.u32 s3, s0;
	s1 =	sshll.u32 s1, $0x11  }
0xba: {  	s0 =	sor.u32 s1, s0  }
0xbb: {  	s0 =	sadd.s32 $0x8F2B, s0  }
0xbc: {  	[sflag:s0] =	ssyncadd.remote.s32 $0x1  }
0xbd: {  	_ =	sfence.sel $0xFFFF  }
0xbe: {  	[dreg:$0x0] =	wrdreg $0xFFFFFFFF;
	(pc) =	sbr.abs _section_cstart, $3  }
0xbf: {  	[dreg:$0x1] =	wrdreg $0xFFFFFFFF  }
0xc0: {  	_ =	task.clear_ibuf [dreg:s6], $0x2FFFF;
	_ =	strace $0x9FFFFFFF  }
0xc1: {  	(tm) =	ssettm $0x7FFFFFFF  }
tec
execute0_lowered:
.L_overlay_start_1:
0x0: {  	(tag) =	ssettag $0x1  }
0x1: {  	s1 =	srdreg.scid  }
0x2: {  	s0 =	stileid.u32;
	s3 =	rddreg [dreg:$0x0];
	s2 =	simm.s32 $0x0  }
0x3: {  	s9 =	simm.s32 $0x8000;
	s10 =	simm.s32 $0x80;
	s11 =	simm.s32 $0x400  }
0x4: {  	s12 =	simm.s32 $0x0;
	s4 =	sand.u32 $0x1, s1;
	s1 =	rddreg [dreg:$0x1]  }
0x5: {  	s5 =	sshll.u32 s0, $0x1;
	[smem:$0x7FF] =	sst s2;
	s7 =	sshll.u32 s0, $0x9  }
0x6: {  	s5 =	sor.u32 s4, s5;
	_ =	strace $0x8000004A;
	s7 =	sand.u32 $0x1800, s7  }
0x7: {  	s4 =	ssub.s32 $0x2, s4;
	s6 =	sshll.u32 s5, $0xC;
	s5 =	sshll.u32 s5, $0x4  }
0x8: {  	s7 =	sadd.s32 s7, s3;
	s8 =	sshrl.u32 s4, $0x1;
	s6 =	sadd.s32 s6, s3  }
0x9: {  	s5 =	sand.u32 $0x70, s5;
	s3 =	sadd.s32 $0x21400, s3;
	s8 =	ssub.s32 s4, s8  }
0xa: {  	s5 =	sadd.s32 s5, s7;
	s4 =	sadd.s32 $0x1400, s6;
	s6 =	smax.u32 s8, $0x1  }
0xb: {  	v0 =	vimm.f32 $0.0e+00;
	v1 =	vimm.f32 $1.000000000e+00;
	s7 =	simm.s32 $0x1;
	s8 =	simm.s32 $0x8800;
	s5 =	sadd.s32 $0x21600, s5  }
.LBB2_1:
0xc: {  	[tilespmem:s2], [sflag:$0x1] =	stream.linear.gather [hbm4b:s4+s2], $0x8000, $0x38;
	[tilespmem:$0x8880] =	vst v63  }
0xd: {  	_ =	swait.ge [sflag:s7], $0x8000  }
0xe: {  	[sflag:s7] =	ssyncset.done $0x0  }
0xf: {  	[sflag:s7] =	ssyncadd.s32 $0xFFFF8000  }
0x10: {  	[tilespmem:s8], [sflag:$0x1] =	stream.linear.gather [hbm4b:s3+s2], $0x10, $0x38;
	[tilespmem:$0x8880] =	vst v63  }
0x11: {  	_ =	swait.ge [sflag:s7], $0x10  }
0x12: {  	[sflag:s7] =	ssyncset.done $0x0  }
0x13: {  	[sflag:s7] =	ssyncadd.s32 $0xFFFFFFF0  }
0x14: {  	s13 =	simm.s32 $0x0;
	s14 =	simm.s32 $0x200;
	v2 =	vld [tilespmem:$0x8800]  }
.LBB2_2:
0x15: {  	p0 =	sne.s32 s14, $0x1E00;
	[tilespmem:s13+$0x8070] =	vst v0  }
0x16: {  	[tilespmem:s13+$0x8000] =	vst v0  }
0x17: {  	[tilespmem:s13+$0x8010] =	vst v0  }
.Ltmp0:
0x18: {  	[tilespmem:s13+$0x8020] =	vst v0;
	(pc) =	sbr.rel @p0 .LBB2_2-.Ltmp0, $4  }
0x19: {  	[tilespmem:s13+$0x8030] =	vst v0  }
0x1a: {  	[tilespmem:s13+$0x8040] =	vst v0  }
0x1b: {  	[tilespmem:s13+$0x8050] =	vst v0  }
0x1c: {  	[tilespmem:s13+$0x8060] =	vst v0;
	s13 =	sshra.s32 s14, $0x2;
	s14 =	sadd.s32 $0x200, s14  }
0x1d: {  	[tilespmem:s13+$0x8070] =	vst v0  }
0x1e: {  	[tilespmem:s13+$0x8000] =	vst v0  }
0x1f: {  	[tilespmem:s13+$0x8010] =	vst v0  }
0x20: {  	[tilespmem:s13+$0x8020] =	vst v0  }
0x21: {  	[tilespmem:s13+$0x8030] =	vst v0  }
0x22: {  	[tilespmem:s13+$0x8040] =	vst v0  }
0x23: {  	[tilespmem:s13+$0x8050] =	vst v0  }
0x24: {  	[tilespmem:s13+$0x8060] =	vst v0;
	s13 =	simm.s32 $0x0  }
.LBB2_4:
0x25: {  	s14 =	sshra.s32 s13, $0x2  }
0x26: {  	v3 =	vld [tilespmem:s14+$0x0];
	_ =	sdelay $0x4  }
0x27: {  	v4 =	vshrl.u32 v3, $0x15  }
0x28: {  	v3 =	vshrl.u32 v3, $0xA;
	vm0 =	veq.s32 v4, v2  }
0x29: {  	v3 =	vand.u32 $0x7FF, v3;
	_ =	sdelay $0x4  }
0x2a: {  	[tilespmem:v3+s9+$0x0] =	vst.idx.add.f32.msk vm0, v1  }
0x2b: {  	v3 =	vld [tilespmem:s14+$0x10];
	_ =	sdelay $0x4  }
0x2c: {  	v49 =	vshrl.u32 v3, $0x15  }
0x2d: {  	v3 =	vshrl.u32 v3, $0xA;
	vm13 =	veq.s32 v49, v2  }
0x2e: {  	v3 =	vand.u32 $0x7FF, v3;
	_ =	sdelay $0x4  }
0x2f: {  	[tilespmem:v3+s9+$0x0] =	vst.idx.add.f32.msk vm13, v1  }
0x30: {  	v3 =	vld [tilespmem:s14+$0x20];
	_ =	sdelay $0x4  }
0x31: {  	v50 =	vshrl.u32 v3, $0x15  }
0x32: {  	v3 =	vshrl.u32 v3, $0xA;
	vm14 =	veq.s32 v50, v2  }
0x33: {  	v3 =	vand.u32 $0x7FF, v3;
	_ =	sdelay $0x4  }
0x34: {  	[tilespmem:v3+s9+$0x0] =	vst.idx.add.f32.msk vm14, v1  }
0x35: {  	v3 =	vld [tilespmem:s14+$0x30];
	_ =	sdelay $0x4  }
0x36: {  	v51 =	vshrl.u32 v3, $0x15  }
0x37: {  	v3 =	vshrl.u32 v3, $0xA;
	vm15 =	veq.s32 v51, v2  }
0x38: {  	v3 =	vand.u32 $0x7FF, v3;
	_ =	sdelay $0x4  }
0x39: {  	[tilespmem:v3+s9+$0x0] =	vst.idx.add.f32.msk vm15, v1  }
0x3a: {  	v3 =	vld [tilespmem:s14+$0x40];
	_ =	sdelay $0x4  }
0x3b: {  	v52 =	vshrl.u32 v3, $0x15  }
0x3c: {  	v3 =	vshrl.u32 v3, $0xA;
	vm4 =	veq.s32 v52, v2  }
0x3d: {  	v3 =	vand.u32 $0x7FF, v3;
	_ =	sdelay $0x4  }
0x3e: {  	[tilespmem:v3+s9+$0x0] =	vst.idx.add.f32.msk vm4, v1  }
0x3f: {  	v3 =	vld [tilespmem:s14+$0x50];
	_ =	sdelay $0x4  }
0x40: {  	v53 =	vshrl.u32 v3, $0x15  }
0x41: {  	v3 =	vshrl.u32 v3, $0xA;
	vm5 =	veq.s32 v53, v2  }
0x42: {  	v3 =	vand.u32 $0x7FF, v3;
	_ =	sdelay $0x4  }
0x43: {  	[tilespmem:v3+s9+$0x0] =	vst.idx.add.f32.msk vm5, v1  }
0x44: {  	v3 =	vld [tilespmem:s14+$0x60];
	_ =	sdelay $0x4  }
0x45: {  	v54 =	vshrl.u32 v3, $0x15  }
0x46: {  	v3 =	vshrl.u32 v3, $0xA;
	vm6 =	veq.s32 v54, v2  }
0x47: {  	v3 =	vand.u32 $0x7FF, v3;
	_ =	sdelay $0x4  }
0x48: {  	[tilespmem:v3+s9+$0x0] =	vst.idx.add.f32.msk vm6, v1  }
0x49: {  	v3 =	vld [tilespmem:s14+$0x70];
	_ =	sdelay $0x4  }
0x4a: {  	v55 =	vshrl.u32 v3, $0x15  }
0x4b: {  	v3 =	vshrl.u32 v3, $0xA;
	vm7 =	veq.s32 v55, v2  }
0x4c: {  	v3 =	vand.u32 $0x7FF, v3;
	_ =	sdelay $0x4  }
0x4d: {  	[tilespmem:v3+s9+$0x0] =	vst.idx.add.f32.msk vm7, v1  }
0x4e: {  	v3 =	vld [tilespmem:s14+$0x80];
	_ =	sdelay $0x4  }
0x4f: {  	v56 =	vshrl.u32 v3, $0x15  }
0x50: {  	v3 =	vshrl.u32 v3, $0xA;
	vm8 =	veq.s32 v56, v2  }
0x51: {  	v3 =	vand.u32 $0x7FF, v3;
	_ =	sdelay $0x4  }
0x52: {  	[tilespmem:v3+s9+$0x0] =	vst.idx.add.f32.msk vm8, v1  }
0x53: {  	v3 =	vld [tilespmem:s14+$0x90];
	_ =	sdelay $0x4  }
0x54: {  	v57 =	vshrl.u32 v3, $0x15  }
0x55: {  	v3 =	vshrl.u32 v3, $0xA;
	vm9 =	veq.s32 v57, v2  }
0x56: {  	v3 =	vand.u32 $0x7FF, v3;
	_ =	sdelay $0x4  }
0x57: {  	[tilespmem:v3+s9+$0x0] =	vst.idx.add.f32.msk vm9, v1  }
0x58: {  	v3 =	vld [tilespmem:s14+$0xA0];
	_ =	sdelay $0x4  }
0x59: {  	v58 =	vshrl.u32 v3, $0x15  }
0x5a: {  	v3 =	vshrl.u32 v3, $0xA;
	vm10 =	veq.s32 v58, v2  }
0x5b: {  	v3 =	vand.u32 $0x7FF, v3;
	_ =	sdelay $0x4  }
0x5c: {  	[tilespmem:v3+s9+$0x0] =	vst.idx.add.f32.msk vm10, v1  }
0x5d: {  	v3 =	vld [tilespmem:s14+$0xB0];
	_ =	sdelay $0x4  }
0x5e: {  	v59 =	vshrl.u32 v3, $0x15  }
0x5f: {  	v3 =	vshrl.u32 v3, $0xA;
	vm11 =	veq.s32 v59, v2  }
0x60: {  	v3 =	vand.u32 $0x7FF, v3;
	_ =	sdelay $0x4  }
0x61: {  	[tilespmem:v3+s9+$0x0] =	vst.idx.add.f32.msk vm11, v1  }
0x62: {  	v3 =	vld [tilespmem:s14+$0xC0];
	_ =	sdelay $0x4  }
0x63: {  	v60 =	vshrl.u32 v3, $0x15  }
0x64: {  	v3 =	vshrl.u32 v3, $0xA;
	vm12 =	veq.s32 v60, v2  }
0x65: {  	v3 =	vand.u32 $0x7FF, v3;
	_ =	sdelay $0x4  }
0x66: {  	[tilespmem:v3+s9+$0x0] =	vst.idx.add.f32.msk vm12, v1  }
0x67: {  	v3 =	vld [tilespmem:s14+$0xD0];
	_ =	sdelay $0x4  }
0x68: {  	v61 =	vshrl.u32 v3, $0x15  }
0x69: {  	v3 =	vshrl.u32 v3, $0xA;
	vm13 =	veq.s32 v61, v2  }
0x6a: {  	v3 =	vand.u32 $0x7FF, v3;
	_ =	sdelay $0x4  }
0x6b: {  	[tilespmem:v3+s9+$0x0] =	vst.idx.add.f32.msk vm13, v1  }
0x6c: {  	v3 =	vld [tilespmem:s14+$0xE0];
	_ =	sdelay $0x4  }
0x6d: {  	v62 =	vshrl.u32 v3, $0x15  }
0x6e: {  	v3 =	vshrl.u32 v3, $0xA;
	vm14 =	veq.s32 v62, v2  }
0x6f: {  	v3 =	vand.u32 $0x7FF, v3;
	_ =	sdelay $0x4  }
0x70: {  	[tilespmem:v3+s9+$0x0] =	vst.idx.add.f32.msk vm14, v1  }
0x71: {  	v3 =	vld [tilespmem:s14+$0xF0];
	_ =	sdelay $0x4  }
0x72: {  	v63 =	vshrl.u32 v3, $0x15  }
0x73: {  	v3 =	vshrl.u32 v3, $0xA;
	vm15 =	veq.s32 v63, v2  }
0x74: {  	p0 =	sne.s32 s13, $0x1FC00;
	v3 =	vand.u32 $0x7FF, v3  }
.Ltmp1:
0x75: {  	_ = 	snop;
	(pc) =	sbr.rel @p0 .LBB2_4-.Ltmp1, $2  }
0x76: {  	_ =	sdelay $0x2  }
0x77: {  	s13 =	sadd.s32 $0x400, s13;
	[tilespmem:v3+s9+$0x0] =	vst.idx.add.f32.msk vm15, v1  }
0x78: {  	s12 =	sadd.s32 $0x1, s12  }
0x79: {  	p0 =	sne.s32 s12, s6  }
.Ltmp2:
0x7a: {  	_ = 	snop;
	(pc) =	sbr.rel @p0 .LBB2_1-.Ltmp2, $4  }
0x7b: {  	[hbm4b:s5+s10] =	stream.strided.scatter [tilespmem:s9], [sflag:$0x1], $0x800, s11, s10, $0x38;
	[tilespmem:$0x8880] =	vst v63  }
0x7c: {  	_ =	swait.ge [sflag:s7], $0x800  }
0x7d: {  	[sflag:s7] =	ssyncset.done $0x0  }
0x7e: {  	[sflag:s7] =	ssyncadd.s32 $0xFFFFF800  }
0x7f: {  	_ =	sfence.sel $0x180000  }
0x80: {  	[bflag:$0x0] =	sbarrier.arrive $0xFFFF  }
0x81: {  	p0 =	sne.s32 s0, $0x0;
	_ =	strace $0x9000004A  }
0x82: {  	s0 =	sadd.s32 @!p0 $0x100000, s1;
	[bflag:$0x2] =	sbarrier.arrive $0xFFFF  }
0x83: {  	[sflag:s0] =	ssyncadd.tile.s32 @!p0 $0x1;
	_ =	shalt  }
.Lfunc_end2:
_tile_overlayer_lowered:
.L_overlay_start_2:
0x84: {  	(tag) =	ssettag $0x2  }
0x85: {  	s0 =	rddreg [dreg:$0x0];
	s2 =	stileid.u32  }
0x86: {  	s1 =	rddreg [dreg:$0x1];
	p0 =	sne.s32 s2, $0x0  }
0x87: {  	s3 =	rddreg [dreg:$0x2];
	[bflag:$0x3] =	sbarrier.arrive $0xFFFF;
	s2 =	simm.s32 @!p0 $0x1C01  }
0x88: {  	[timem:s3], [sflag:s2] =	dma.local @!p0 [hbm:s0], s1  }
0x89: {  	s0 =	simm.s32 @!p0 $0x1  }
0x8a: {  	_ =	swait.ge @!p0 [sflag:s0], s1  }
0x8b: {  	s1 =	ssub.s32 @!p0 $0x0, s1;
	[sflag:s0] =	ssyncset.done @!p0 $0x0  }
0x8c: {  	[sflag:s0] =	ssyncadd.s32 @!p0 s1  }
0x8d: {  	[bflag:$0x3] =	sbarrier.arrive $0xFFFF  }
0x8e: {  	_ =	shalt  }

// kernel: kernel.7.cloned.1.call-start
scs
__scs_entry_jumppad:
0x0: {  	(pc) =	sbr.rel $0x88, $3  }
0x1: {  	(tag) =	ssettag $0x0;
	lr =	simm.s32 $0x1  }
0x2: {  	[smem:$0x3F9F] =	sst lr;
	_ =	strace $0xD0000000  }
0x3: {  	_ = 	snop  }
0x4: {  	_ = 	snop  }
0x5: {  	_ = 	snop  }
0x6: {  	_ = 	snop  }
0x7: {  	_ = 	snop  }
__scs_overlays_trampoline_lowered:
0x8: {  	[smem:$0x3FAE] =	sst s0  }
0x9: {  	[smem:$0x3FAF] =	sst s1  }
0xa: {  	[smem:$0x3FB0] =	sst s2  }
0xb: {  	[smem:$0x3FB1] =	sst s3  }
0xc: {  	[smem:$0x3FB2] =	sst s4  }
0xd: {  	[smem:$0x3FB3] =	sst s5  }
0xe: {  	[smem:$0x3FB4] =	sst s6  }
0xf: {  	[smem:$0x3FB5] =	sst s7  }
0x10: {  	[smem:$0x3FB6] =	sst s8  }
0x11: {  	[smem:$0x3FB7] =	sst s9;
	s0 =	simm.s32 @!p0 $0x0  }
0x12: {  	s1 =	sld [smem:$0x3F9D];
	s0 =	simm.s32 @p0 $0x1  }
0x13: {  	[smem:$0x3FB8] =	sst s0;
	s0 =	simm.s32 @!p1 $0x0  }
0x14: {  	s2 =	sld [smem:$0x3F9C];
	s0 =	simm.s32 @p1 $0x1  }
0x15: {  	[smem:$0x3FB9] =	sst s0;
	s0 =	simm.s32 @!p2 $0x0  }
0x16: {  	s3 =	sld [smem:$0x3FDB];
	s0 =	simm.s32 @p2 $0x1  }
0x17: {  	s4 =	simm.s32 $0x1BF5;
	[smem:$0x3FBB] =	sst s0  }
0x18: {  	s0 =	sld [smem:$0x3F9E];
	_ =	swait.ge [sflag:s4], $0x0  }
0x19: {  	s7 =	sld [smem:$0x3F9F]  }
0x1a: {  	s8 =	sadd.s32 $0xFFFFE003, lr  }
0x1b: {  	s9 =	sadd.s32 $0xFFFFFEF7, lr;
	s5 =	simm.s32 $0xFFFFFFFF;
	p2 =	slt.u32 s8, $0xFFFFF086  }
0x1c: {  	p1 =	slt.u32 s9, $0xF7A;
	s5 =	simm.s32 @!p2 $0x0  }
0x1d: {  	s5 =	simm.s32 @p1 $0x1;
	p0 =	seq.s32 s7, s2  }
0x1e: {  	s7 =	smul.u32 @!p0 $0xF7A, s2;
	p2 =	seq.s32 @!p0 s5, $0x0  }
0x1f: {  	s9 =	smul.u32 $0xF7A, s1;
	s8 =	simm.s32 @!p0 $0x1BF5;
	p2 =	por !p2, p0  }
0x20: {  	[sflag:s8] =	ssyncset.s32 @!p0 $0xFFFFF086;
	s6 =	sadd.s32 @!p0 s3, s7;
	s7 =	simm.s32 @!p0 $0x108  }
0x21: {  	s3 =	sadd.s32 s3, s9;
	s6 =	sadd.s32 @!p0 $0x88, s6;
	s7 =	simm.s32 @p2 $0x1082  }
0x22: {  	[simem:s7], [sflag:s8] =	dma.local @!p0 [hbm:s6], $0xF7A  }
0x23: {  	s9 =	sor.u32 $0xD0000000, s2;
	s6 =	simm.s32 $0x108;
	_ =	swait.ge @!p0 [sflag:s8], $0x0  }
0x24: {  	s3 =	sadd.s32 $0x88, s3;
	s6 =	simm.s32 @!p1 $0x1082;
	[sflag:s4] =	ssyncset.s32 $0xFFFFF086  }
0x25: {  	[simem:s6], [sflag:s4] =	dma.local [hbm:s3], $0xF7A  }
0x26: {  	[smem:$0x3F9F] =	sst s1;
	(tag) =	ssettag s2;
	_ =	strace s9  }
0x27: {  	s1 =	sld [smem:$0x3FAF]  }
0x28: {  	s2 =	sld [smem:$0x3FB0]  }
0x29: {  	s4 =	sld [smem:$0x3FB2]  }
0x2a: {  	p0 =	seq.s32 s5, $0x0;
	s5 =	sld [smem:$0x3FB3]  }
0x2b: {  	s6 =	sld [smem:$0x3FB4]  }
0x2c: {  	s7 =	sld [smem:$0x3FB5]  }
0x2d: {  	s3 =	simm.s32 $0x108;
	s8 =	sld [smem:$0x3FB6]  }
0x2e: {  	s3 =	simm.s32 @!p0 $0x1082;
	s9 =	sld [smem:$0x3FB7]  }
0x2f: {  	lr =	sadd.s32 s0, s3;
	s0 =	sld [smem:$0x3FAE]  }
0x30: {  	s3 =	sld [smem:$0x3FB1]  }
0x31: {  	[smem:$0x3FBA] =	sst s10  }
0x32: {  	s10 =	sld [smem:$0x3FB8];
	_ =	sdelay $0x3  }
0x33: {  	p0 =	seq.s32 s10, $0x1;
	s10 =	sld [smem:$0x3FBA];
	_ =	sdelay $0x3  }
0x34: {  	[smem:$0x3FBA] =	sst s10  }
0x35: {  	s10 =	sld [smem:$0x3FB9];
	_ =	sdelay $0x3  }
0x36: {  	p1 =	seq.s32 s10, $0x1;
	s10 =	sld [smem:$0x3FBA];
	_ =	sdelay $0x3  }
0x37: {  	[smem:$0x3FBA] =	sst s10  }
0x38: {  	s10 =	sld [smem:$0x3FBB]  }
0x39: {  	_ = 	snop;
	(pc) =	sbr.ind lr, $3  }
0x3a: {  	_ = 	snop  }
0x3b: {  	_ = 	snop  }
0x3c: {  	p2 =	seq.s32 s10, $0x1;
	s10 =	sld [smem:$0x3FBA]  }
0x3d: {  	_ =	shalt  }
0x3e: {  	_ =	shalt  }
0x3f: {  	_ =	shalt  }
0x40: {  	_ =	shalt  }
0x41: {  	_ =	shalt  }
0x42: {  	_ =	shalt  }
0x43: {  	_ =	shalt  }
0x44: {  	_ =	shalt  }
0x45: {  	_ =	shalt  }
0x46: {  	_ =	shalt  }
0x47: {  	_ =	shalt  }
0x48: {  	_ =	shalt  }
0x49: {  	_ =	shalt  }
0x4a: {  	_ =	shalt  }
0x4b: {  	_ =	shalt  }
0x4c: {  	_ =	shalt  }
0x4d: {  	_ =	shalt  }
0x4e: {  	_ =	shalt  }
0x4f: {  	_ =	shalt  }
0x50: {  	_ =	shalt  }
0x51: {  	_ =	shalt  }
0x52: {  	_ =	shalt  }
0x53: {  	_ =	shalt  }
0x54: {  	_ =	shalt  }
0x55: {  	_ =	shalt  }
0x56: {  	_ =	shalt  }
0x57: {  	_ =	shalt  }
0x58: {  	_ =	shalt  }
0x59: {  	_ =	shalt  }
0x5a: {  	_ =	shalt  }
0x5b: {  	_ =	shalt  }
0x5c: {  	_ =	shalt  }
0x5d: {  	_ =	shalt  }
0x5e: {  	_ =	shalt  }
0x5f: {  	_ =	shalt  }
0x60: {  	_ =	shalt  }
0x61: {  	_ =	shalt  }
0x62: {  	_ =	shalt  }
0x63: {  	_ =	shalt  }
0x64: {  	_ =	shalt  }
0x65: {  	_ =	shalt  }
0x66: {  	_ =	shalt  }
0x67: {  	_ =	shalt  }
0x68: {  	_ =	shalt  }
0x69: {  	_ =	shalt  }
0x6a: {  	_ =	shalt  }
0x6b: {  	_ =	shalt  }
0x6c: {  	_ =	shalt  }
0x6d: {  	_ =	shalt  }
0x6e: {  	_ =	shalt  }
0x6f: {  	_ =	shalt  }
0x70: {  	_ =	shalt  }
0x71: {  	_ =	shalt  }
0x72: {  	_ =	shalt  }
0x73: {  	_ =	shalt  }
0x74: {  	_ =	shalt  }
0x75: {  	_ =	shalt  }
0x76: {  	_ =	shalt  }
0x77: {  	_ =	shalt  }
0x78: {  	_ =	shalt  }
0x79: {  	_ =	shalt  }
0x7a: {  	_ =	shalt  }
0x7b: {  	_ =	shalt  }
0x7c: {  	_ =	shalt  }
0x7d: {  	_ =	shalt  }
0x7e: {  	_ =	shalt  }
0x7f: {  	_ =	shalt  }
0x80: {  	_ =	shalt  }
0x81: {  	_ =	shalt  }
0x82: {  	_ =	shalt  }
0x83: {  	_ =	shalt  }
0x84: {  	_ =	shalt  }
0x85: {  	_ =	shalt  }
0x86: {  	_ =	shalt  }
0x87: {  	_ =	shalt  }
.Lfunc_end0:
.L_simem_size_0:
called_computation_lowered:
.L_overlay_start_0:
0x88: {  	s2 =	sld [smem:$0x3FD9]  }
0x89: {  	s3 =	sld [smem:$0x3FFE];
	_ =	sdelay $0x1  }
0x8a: {  	s1 =	srdreg.scid  }
0x8b: {  	s0 =	sand.u32 $0x1, s1  }
0x8c: {  	s16 =	sshll.u32 s0, $0xA;
	s2 =	sadd.s32 s3, s2  }
0x8d: {  	s2 =	sadd.s32 s2, s16  }
0x8e: {  	[smem:$0x3FC6] =	sst s2  }
0x8f: {  	_ = 	snop  }
0x90: {  	(tm) =	ssettm $0x1  }
0x91: {  	s17 =	sld [smem:$0x3FFB];
	_ =	sdelay $0x3  }
0x92: {  	_ =	strace s17  }
0x93: {  	s2 =	sld [smem:$0x3FFC];
	_ =	sdelay $0x3  }
0x94: {  	_ =	strace s2  }
0x95: {  	s2 =	sld [smem:$0x3FFD];
	_ =	sdelay $0x3  }
0x96: {  	_ =	strace s2  }
0x97: {  	_ =	strace $0x8FFFFFFF  }
0x98: {  	s18 =	sld [smem:$0x3FDB];
	_ =	sdelay $0x1  }
0x99: {  	s19 =	simm.s32 $_scs_section_size  }
0x9a: {  	s4 =	simm.s32 $_size__tile_overlayer_lowered;
	s5 =	simm.s32 $_tile_overlayer_lowered  }
0x9b: {  	s22 =	simm.s32 $0x1BFF;
	s21 =	sshll.u32 s5, $0x1;
	s2 =	sadd.s32 s19, s18  }
0x9c: {  	s6 =	simm.s32 $0x0;
	s20 =	sshll.u32 s4, $0x1;
	s4 =	sadd.s32 s21, s2  }
0x9d: {  	[timem:s6], [sflag:s22] =	dma.local [hbm:s4], s20  }
0x9e: {  	_ =	swait.ge [sflag:s22], s20  }
0x9f: {  	s3 =	ssub.s32 $0x0, s20;
	[sflag:s22] =	ssyncset.done $0x0  }
0xa0: {  	[sflag:s22] =	ssyncadd.s32 s3;
	_ =	sdelay $0x1  }
0xa1: {  	s23 =	simm.s32 $0x1B8B  }
0xa2: {  	_ =	swait.ge [sflag:s23], $0x1  }
0xa3: {  	[sflag:s23] =	ssyncset.done $0x0  }
0xa4: {  	s25 =	simm.s32 $0x1B8E;
	s24 =	sld [smem:$0x3FFE];
	[sflag:s23] =	ssyncadd.s32 $0xFFFFFFFF  }
0xa5: {  	s26 =	simm.s32 $execute0_lowered;
	[smem:$0x3FD2] =	sst s25  }
0xa6: {  	s4 =	sshll.u32 s26, $0x1;
	_ =	strace $0x80000046;
	[dreg:$0x1] =	wrdreg $0xFFFFFFFF  }
0xa7: {  	s28 =	simm.s32 $_size_execute0_lowered;
	s2 =	sadd.s32 s2, s4;
	[dreg:$0x0] =	wrdreg $0x0  }
0xa8: {  	s4 =	sshll.u32 s28, $0x1;
	[dreg:$0x2] =	wrdreg s2  }
0xa9: {  	[dreg:$0x3] =	wrdreg s4  }
0xaa: {  	[dreg:$0x4] =	wrdreg $0xC0  }
0xab: {  	_ =	task [dreg:s6], $0x5FFFF  }
0xac: {  	[dreg:$0x1] =	wrdreg $0xFFFFFFFF  }
0xad: {  	[dreg:$0x0] =	wrdreg $0x60  }
0xae: {  	[dreg:$0x2] =	wrdreg s24  }
0xaf: {  	[dreg:$0x3] =	wrdreg $0x9  }
0xb0: {  	_ =	task.clear_ibuf [dreg:s6], $0x4FFFF;
	_ =	strace $0x90000046  }
0xb1: {  	s29 =	simm.s32 $0x9;
	_ =	strace $0x80000048  }
0xb2: {  	_ =	swait.ge [sflag:s29], $0x1  }
0xb3: {  	[sflag:s29] =	ssyncadd.s32 $0xFFFFFFFF  }
0xb4: {  	_ =	strace $0x90000048  }
0xb5: {  	_ =	sfence  }
0xb6: {  	s30 =	sld [smem:$0x0];
	_ =	sdelay $0x2  }
0xb7: {  	s31 =	sshll.u32 s1, $0xD;
	s1 =	sshrl.u32 s1, $0x2  }
0xb8: {  	s3 =	sand.u32 $0x4000, s31;
	s1 =	sadd.s32 s1, s30  }
0xb9: {  	s0 =	sor.u32 s3, s0;
	s1 =	sshll.u32 s1, $0x11  }
0xba: {  	s0 =	sor.u32 s1, s0  }
0xbb: {  	s0 =	sadd.s32 $0x8F2B, s0  }
0xbc: {  	[sflag:s0] =	ssyncadd.remote.s32 $0x1  }
0xbd: {  	_ =	sfence.sel $0xFFFF  }
0xbe: {  	[dreg:$0x0] =	wrdreg $0xFFFFFFFF;
	(pc) =	sbr.abs _section_cstart, $3  }
0xbf: {  	[dreg:$0x1] =	wrdreg $0xFFFFFFFF  }
0xc0: {  	_ =	task.clear_ibuf [dreg:s6], $0x2FFFF;
	_ =	strace $0x9FFFFFFF  }
0xc1: {  	(tm) =	ssettm $0x7FFFFFFF  }
tec
execute0_lowered:
.L_overlay_start_1:
0x0: {  	(tag) =	ssettag $0x1  }
0x1: {  	s3 =	rddreg [dreg:$0x0]  }
0x2: {  	s0 =	rddreg [dreg:$0x1]  }
0x3: {  	s2 =	simm.s32 $0x0;
	s4 =	srdreg.scid;
	s1 =	stileid.u32  }
0x4: {  	s8 =	simm.s32 $0x80;
	s9 =	simm.s32 $0x400;
	s10 =	simm.s32 $0x0  }
0x5: {  	[smem:$0x7FF] =	sst s2;
	s4 =	sand.u32 $0x1, s4;
	s5 =	sshll.u32 s1, $0x1  }
0x6: {  	s6 =	sshll.u32 s1, $0x9;
	_ =	strace $0x80000047;
	s5 =	sor.u32 s4, s5  }
0x7: {  	s6 =	sand.u32 $0x1800, s6;
	s4 =	ssub.s32 $0x2, s4;
	s7 =	sshll.u32 s5, $0xC  }
0x8: {  	s5 =	sshll.u32 s5, $0x4;
	s6 =	sadd.s32 s6, s3;
	s30 =	sshrl.u32 s4, $0x1  }
0x9: {  	s5 =	sand.u32 $0x70, s5;
	s3 =	sadd.s32 s7, s3;
	s31 =	ssub.s32 s4, s30  }
0xa: {  	s7 =	simm.s32 $0x8000;
	s5 =	sadd.s32 s5, s6;
	s3 =	sadd.s32 $0x1400, s3  }
0xb: {  	v0 =	vimm.f32 $0.0e+00;
	v1 =	vimm.f32 $1.000000000e+00;
	s6 =	simm.s32 $0x1;
	s4 =	sadd.s32 $0x21400, s5;
	s5 =	smax.u32 s31, $0x1  }
.LBB2_1:
0xc: {  	[tilespmem:s2], [sflag:$0x1] =	stream.linear.gather [hbm4b:s3+s2], $0x8000, $0x38;
	[tilespmem:$0x8800] =	vst v63  }
0xd: {  	_ =	swait.ge [sflag:s6], $0x8000  }
0xe: {  	[sflag:s6] =	ssyncset.done $0x0  }
0xf: {  	s11 =	simm.s32 $0x0;
	s12 =	simm.s32 $0x200;
	[sflag:s6] =	ssyncadd.s32 $0xFFFF8000  }
.LBB2_2:
0x10: {  	p0 =	sne.s32 s12, $0x1E00;
	[tilespmem:s11+$0x8070] =	vst v0  }
0x11: {  	[tilespmem:s11+$0x8000] =	vst v0  }
0x12: {  	[tilespmem:s11+$0x8010] =	vst v0  }
.Ltmp0:
0x13: {  	[tilespmem:s11+$0x8020] =	vst v0;
	(pc) =	sbr.rel @p0 .LBB2_2-.Ltmp0, $4  }
0x14: {  	[tilespmem:s11+$0x8030] =	vst v0  }
0x15: {  	[tilespmem:s11+$0x8040] =	vst v0  }
0x16: {  	[tilespmem:s11+$0x8050] =	vst v0  }
0x17: {  	[tilespmem:s11+$0x8060] =	vst v0;
	s11 =	sshra.s32 s12, $0x2;
	s12 =	sadd.s32 $0x200, s12  }
0x18: {  	[tilespmem:s11+$0x8070] =	vst v0  }
0x19: {  	[tilespmem:s11+$0x8000] =	vst v0  }
0x1a: {  	[tilespmem:s11+$0x8010] =	vst v0  }
0x1b: {  	[tilespmem:s11+$0x8020] =	vst v0  }
0x1c: {  	[tilespmem:s11+$0x8030] =	vst v0  }
0x1d: {  	[tilespmem:s11+$0x8040] =	vst v0  }
0x1e: {  	[tilespmem:s11+$0x8050] =	vst v0  }
0x1f: {  	[tilespmem:s11+$0x8060] =	vst v0;
	s11 =	simm.s32 $0x0  }
.LBB2_4:
0x20: {  	s12 =	sshra.s32 s11, $0x2  }
0x21: {  	v2 =	vld [tilespmem:s12+$0x0];
	_ =	sdelay $0x4  }
0x22: {  	v2 =	vshrl.u32 v2, $0x15;
	_ =	sdelay $0x4  }
0x23: {  	[tilespmem:v2+s7+$0x0] =	vst.idx.add.f32.msk $0xffff, v1  }
0x24: {  	v2 =	vld [tilespmem:s12+$0x10];
	_ =	sdelay $0x4  }
0x25: {  	v2 =	vshrl.u32 v2, $0x15;
	_ =	sdelay $0x4  }
0x26: {  	[tilespmem:v2+s7+$0x0] =	vst.idx.add.f32.msk $0xffff, v1  }
0x27: {  	v2 =	vld [tilespmem:s12+$0x20];
	_ =	sdelay $0x4  }
0x28: {  	v2 =	vshrl.u32 v2, $0x15;
	_ =	sdelay $0x4  }
0x29: {  	[tilespmem:v2+s7+$0x0] =	vst.idx.add.f32.msk $0xffff, v1  }
0x2a: {  	v2 =	vld [tilespmem:s12+$0x30];
	_ =	sdelay $0x4  }
0x2b: {  	v2 =	vshrl.u32 v2, $0x15;
	_ =	sdelay $0x4  }
0x2c: {  	[tilespmem:v2+s7+$0x0] =	vst.idx.add.f32.msk $0xffff, v1  }
0x2d: {  	v2 =	vld [tilespmem:s12+$0x40];
	_ =	sdelay $0x4  }
0x2e: {  	v2 =	vshrl.u32 v2, $0x15;
	_ =	sdelay $0x4  }
0x2f: {  	[tilespmem:v2+s7+$0x0] =	vst.idx.add.f32.msk $0xffff, v1  }
0x30: {  	v2 =	vld [tilespmem:s12+$0x50];
	_ =	sdelay $0x4  }
0x31: {  	v2 =	vshrl.u32 v2, $0x15;
	_ =	sdelay $0x4  }
0x32: {  	[tilespmem:v2+s7+$0x0] =	vst.idx.add.f32.msk $0xffff, v1  }
0x33: {  	v2 =	vld [tilespmem:s12+$0x60];
	_ =	sdelay $0x4  }
0x34: {  	v2 =	vshrl.u32 v2, $0x15;
	_ =	sdelay $0x4  }
0x35: {  	[tilespmem:v2+s7+$0x0] =	vst.idx.add.f32.msk $0xffff, v1  }
0x36: {  	v2 =	vld [tilespmem:s12+$0x70];
	_ =	sdelay $0x4  }
0x37: {  	v2 =	vshrl.u32 v2, $0x15;
	_ =	sdelay $0x4  }
0x38: {  	[tilespmem:v2+s7+$0x0] =	vst.idx.add.f32.msk $0xffff, v1  }
0x39: {  	v2 =	vld [tilespmem:s12+$0x80];
	_ =	sdelay $0x4  }
0x3a: {  	v2 =	vshrl.u32 v2, $0x15;
	_ =	sdelay $0x4  }
0x3b: {  	[tilespmem:v2+s7+$0x0] =	vst.idx.add.f32.msk $0xffff, v1  }
0x3c: {  	v2 =	vld [tilespmem:s12+$0x90];
	_ =	sdelay $0x4  }
0x3d: {  	v2 =	vshrl.u32 v2, $0x15;
	_ =	sdelay $0x4  }
0x3e: {  	[tilespmem:v2+s7+$0x0] =	vst.idx.add.f32.msk $0xffff, v1  }
0x3f: {  	v2 =	vld [tilespmem:s12+$0xA0];
	_ =	sdelay $0x4  }
0x40: {  	v2 =	vshrl.u32 v2, $0x15;
	_ =	sdelay $0x4  }
0x41: {  	[tilespmem:v2+s7+$0x0] =	vst.idx.add.f32.msk $0xffff, v1  }
0x42: {  	v2 =	vld [tilespmem:s12+$0xB0];
	_ =	sdelay $0x4  }
0x43: {  	v2 =	vshrl.u32 v2, $0x15;
	_ =	sdelay $0x4  }
0x44: {  	[tilespmem:v2+s7+$0x0] =	vst.idx.add.f32.msk $0xffff, v1  }
0x45: {  	v2 =	vld [tilespmem:s12+$0xC0];
	_ =	sdelay $0x4  }
0x46: {  	v2 =	vshrl.u32 v2, $0x15;
	_ =	sdelay $0x4  }
0x47: {  	[tilespmem:v2+s7+$0x0] =	vst.idx.add.f32.msk $0xffff, v1  }
0x48: {  	v2 =	vld [tilespmem:s12+$0xD0];
	_ =	sdelay $0x4  }
0x49: {  	v2 =	vshrl.u32 v2, $0x15;
	_ =	sdelay $0x4  }
0x4a: {  	[tilespmem:v2+s7+$0x0] =	vst.idx.add.f32.msk $0xffff, v1  }
0x4b: {  	v2 =	vld [tilespmem:s12+$0xE0];
	_ =	sdelay $0x4  }
0x4c: {  	v2 =	vshrl.u32 v2, $0x15;
	_ =	sdelay $0x4  }
0x4d: {  	[tilespmem:v2+s7+$0x0] =	vst.idx.add.f32.msk $0xffff, v1  }
0x4e: {  	v2 =	vld [tilespmem:s12+$0xF0];
	_ =	sdelay $0x4  }
0x4f: {  	p0 =	sne.s32 s11, $0x1FC00;
	v2 =	vshrl.u32 v2, $0x15  }
.Ltmp1:
0x50: {  	_ = 	snop;
	(pc) =	sbr.rel @p0 .LBB2_4-.Ltmp1, $2  }
0x51: {  	_ =	sdelay $0x2  }
0x52: {  	s11 =	sadd.s32 $0x400, s11;
	[tilespmem:v2+s7+$0x0] =	vst.idx.add.f32.msk $0xffff, v1  }
0x53: {  	s10 =	sadd.s32 $0x1, s10  }
0x54: {  	p0 =	sne.s32 s10, s5  }
.Ltmp2:
0x55: {  	_ = 	snop;
	(pc) =	sbr.rel @p0 .LBB2_1-.Ltmp2, $4  }
0x56: {  	[hbm4b:s4+s8] =	stream.strided.scatter [tilespmem:s7], [sflag:$0x1], $0x800, s9, s8, $0x38;
	[tilespmem:$0x8800] =	vst v63  }
0x57: {  	_ =	swait.ge [sflag:s6], $0x800  }
0x58: {  	[sflag:s6] =	ssyncset.done $0x0  }
0x59: {  	[sflag:s6] =	ssyncadd.s32 $0xFFFFF800  }
0x5a: {  	_ =	sfence.sel $0x180000  }
0x5b: {  	[bflag:$0x0] =	sbarrier.arrive $0xFFFF  }
0x5c: {  	p0 =	sne.s32 s1, $0x0;
	_ =	strace $0x90000047  }
0x5d: {  	s0 =	sadd.s32 @!p0 $0x100000, s0;
	[bflag:$0x2] =	sbarrier.arrive $0xFFFF  }
0x5e: {  	[sflag:s0] =	ssyncadd.tile.s32 @!p0 $0x1;
	_ =	shalt  }
.Lfunc_end2:
_tile_overlayer_lowered:
.L_overlay_start_2:
0x5f: {  	(tag) =	ssettag $0x2  }
0x60: {  	s0 =	rddreg [dreg:$0x0];
	s2 =	stileid.u32  }
0x61: {  	s1 =	rddreg [dreg:$0x1];
	p0 =	sne.s32 s2, $0x0  }
0x62: {  	s3 =	rddreg [dreg:$0x2];
	[bflag:$0x3] =	sbarrier.arrive $0xFFFF;
	s2 =	simm.s32 @!p0 $0x1C01  }
0x63: {  	[timem:s3], [sflag:s2] =	dma.local @!p0 [hbm:s0], s1  }
0x64: {  	s0 =	simm.s32 @!p0 $0x1  }
0x65: {  	_ =	swait.ge @!p0 [sflag:s0], s1  }
0x66: {  	s1 =	ssub.s32 @!p0 $0x0, s1;
	[sflag:s0] =	ssyncset.done @!p0 $0x0  }
0x67: {  	[sflag:s0] =	ssyncadd.s32 @!p0 s1  }
0x68: {  	[bflag:$0x3] =	sbarrier.arrive $0xFFFF  }
0x69: {  	_ =	shalt  }

</sc_bundles>
